<compile_context>
chip_gen: v7x
topology: tpu7x:2x2x1
jax: 0.10.2.dev20260603
libtpu: 0.0.44.dev20260713+nightly
codegen_flags: <defaults>
</compile_context>

<pallas_src>
import functools
import math

import jax
import jax.numpy as jnp
from jax import lax
from jax.experimental import pallas as pl
from jax.experimental.pallas import tpu as pltpu
from jax.experimental.pallas import tpu_sc as plsc

D_MODEL = 64
SCALE = math.sqrt(D_MODEL)

NUM_CORES = 2
NUM_SUBCORES = 16
NUM_WORKERS = NUM_CORES * NUM_SUBCORES
LANES = 16

CHUNK = 128
K = 2
NBUF = 4
DEPTH = 2
STEP_ROWS = K * CHUNK


@functools.cache
def _emb_kernel(B: int):
    b_per_w = B // NUM_WORKERS
    n_gathers = b_per_w // CHUNK
    n_steps = b_per_w // STEP_ROWS
    assert b_per_w % STEP_ROWS == 0 and n_steps % NBUF == 0
    mesh = plsc.VectorSubcoreMesh(core_axis_name="c", subcore_axis_name="s")

    @functools.partial(
        pl.kernel,
        out_type=jax.ShapeDtypeStruct((B, D_MODEL), jnp.float32),
        mesh=mesh,
        scratch_types=[
            pltpu.VMEM((n_gathers, CHUNK), jnp.int32),
        ]
        + [pltpu.VMEM((STEP_ROWS, D_MODEL), jnp.float32) for _ in range(NBUF)]
        + [pltpu.SemaphoreType.DMA for _ in range(2 * NBUF)],
        compiler_params=pltpu.CompilerParams(use_tc_tiling_on_sc=False),
    )
    def body(idx_hbm, table_hbm, out_hbm, idx_all, *bufs_and_sems):
        rows = bufs_and_sems[:NBUF]
        sem_g = bufs_and_sems[NBUF : 2 * NBUF]
        sem_s = bufs_and_sems[2 * NBUF : 3 * NBUF]

        wid = lax.axis_index("s") * NUM_CORES + lax.axis_index("c")
        wbase = wid * b_per_w

        def issue_gather(s, b):
            for k in range(K):
                j = s * K + k
                pltpu.async_copy(
                    table_hbm.at[idx_all.at[j]],
                    rows[b].at[pl.ds(k * CHUNK, CHUNK)],
                    sem_g[b],
                )

        def wait_gather(s, b):
            for k in range(K):
                j = s * K + k
                pltpu.make_async_copy(
                    table_hbm.at[idx_all.at[j]],
                    rows[b].at[pl.ds(k * CHUNK, CHUNK)],
                    sem_g[b],
                ).wait()

        def issue_scatter(s, b):
            obase = wbase + s * STEP_ROWS
            pltpu.async_copy(rows[b], out_hbm.at[pl.ds(obase, STEP_ROWS)], sem_s[b])

        def wait_scatter(b):
            pltpu.make_async_copy(
                rows[b], out_hbm.at[pl.ds(wbase, STEP_ROWS)], sem_s[b]
            ).wait()

        pltpu.sync_copy(idx_hbm.at[wid], idx_all)

        for s0 in range(DEPTH):
            issue_gather(s0, s0 % NBUF)

        @pl.loop(0, n_steps, step=NBUF)
        def outer(g):
            for b in range(NBUF):
                s = g + b
                wait_gather(s, b)

                @pl.loop(0, STEP_ROWS, unroll=4)
                def scale_row(i):
                    for j in range(D_MODEL // LANES):
                        sl = pl.ds(j * LANES, LANES)
                        rows[b][i, sl] = rows[b][i, sl] * SCALE

                issue_scatter(s, b)

                bn = (b + DEPTH) % NBUF

                @pl.when(s + DEPTH < n_steps)
                def _():
                    @pl.when(s + DEPTH >= NBUF)
                    def _():
                        wait_scatter(bn)

                    issue_gather(s + DEPTH, bn)

        for b in range(NBUF):
            wait_scatter(b)

    return body


def kernel(x, table):
    B = x.size
    b_per_w = B // NUM_WORKERS
    idx3 = x.reshape(NUM_WORKERS, b_per_w // CHUNK, CHUNK).astype(jnp.int32)
    out = _emb_kernel(B)(idx3, table)
    return out.reshape(x.shape + (D_MODEL,))

# --- scband reference (transcript-rebuilt; emitter-appended) ---
"""Pipeline reference for scband-embeddings-32890859552839 (READ-ONLY COPY).

The authoritative reference and input builder live on the scoring server;
editing this copy changes nothing except your own understanding.
"""

import math
import jax, jax.numpy as jnp
import numpy as np

D_MODEL = 64
VOCAB = 1000000

def setup_inputs(seed: int = 0) -> dict:
    key = jax.random.key(seed)
    k1, k2 = jax.random.split(key)
    x = jax.random.randint(k1, (4096, 200), 0, VOCAB, dtype=jnp.int64) if jax.config.jax_enable_x64 else jax.random.randint(k1, (4096, 200), 0, VOCAB, dtype=jnp.int32)
    table = jax.random.normal(k2, (VOCAB, D_MODEL), dtype=jnp.float32)
    return {"x": x, "table": table}

def reference(x, table):
    # Faithful translation of: self.lut(x) * math.sqrt(self.d_model)
    emb = jnp.take(table, x, axis=0)
    return emb * math.sqrt(D_MODEL)

if __name__ == "__main__":
    import jax
    _d = setup_inputs()
    print(jax.jit(kernel)(*tuple(_d.values())))

</pallas_src>

<mosaic_0001>
#map = affine_map<(d0, d1) -> (0, 0, 0)>
#map1 = affine_map<(d0, d1) -> (0, 0)>
module attributes {stable_mosaic.version = 14 : i64} {
  func.func @body(%arg0: i32, %arg1: i32, %arg2: memref<32x200x128xi32, #tpu.memory_space<hbm>>, %arg3: memref<1000000x64xf32, #tpu.memory_space<hbm>>, %arg4: memref<819200x64xf32, #tpu.memory_space<hbm>>, %arg5: memref<200x128xi32, #tpu.memory_space<vmem>>, %arg6: memref<256x64xf32, #tpu.memory_space<vmem>>, %arg7: memref<256x64xf32, #tpu.memory_space<vmem>>, %arg8: memref<256x64xf32, #tpu.memory_space<vmem>>, %arg9: memref<256x64xf32, #tpu.memory_space<vmem>>, %arg10: memref<!tpu.dma_semaphore, #tpu.memory_space<semaphore_mem>>, %arg11: memref<!tpu.dma_semaphore, #tpu.memory_space<semaphore_mem>>, %arg12: memref<!tpu.dma_semaphore, #tpu.memory_space<semaphore_mem>>, %arg13: memref<!tpu.dma_semaphore, #tpu.memory_space<semaphore_mem>>, %arg14: memref<!tpu.dma_semaphore, #tpu.memory_space<semaphore_mem>>, %arg15: memref<!tpu.dma_semaphore, #tpu.memory_space<semaphore_mem>>, %arg16: memref<!tpu.dma_semaphore, #tpu.memory_space<semaphore_mem>>, %arg17: memref<!tpu.dma_semaphore, #tpu.memory_space<semaphore_mem>>) attributes {dimension_semantics = [#tpu.dimension_semantics<core_parallel>, #tpu.dimension_semantics<subcore_parallel>], iteration_bounds = array<i64: 2, 16>, scalar_prefetch = 0 : i64, scratch_operands = 13 : i64, tpu.core_type = #tpu.core_type<sc_vector_subcore>, window_params = [{transform_indices = #map}, {transform_indices = #map1}, {transform_indices = #map1}]} {
    %mul3A = arith.constant 2 : i32
    %mul3A_0 = arith.muli %arg1, %mul3A : i32
    %add3A = arith.addi %mul3A_0, %arg0 : i32
    %mul3A_1 = arith.constant 25600 : i32
    %mul3A_2 = arith.muli %add3A, %mul3A_1 : i32
    "tpu.region"() ({
      %run_scoped3A = tpu.sem_alloc : memref<!tpu.dma_semaphore, #tpu.memory_space<semaphore_mem>>
      %dma_start3A_61 = arith.constant 0 : i32
      %dma_start3A_62 = arith.constant 0 : i32
      %dma_start3A_63 = tpu.memref_slice %arg2[%add3A, %dma_start3A_61, %dma_start3A_62] : memref<32x200x128xi32, #tpu.memory_space<hbm>> -> memref<1x200x128xi32, #tpu.memory_space<hbm>>
      %dma_start3A_64 = tpu.memref_squeeze %dma_start3A_63 : memref<1x200x128xi32, #tpu.memory_space<hbm>> -> memref<200x128xi32, #tpu.memory_space<hbm>>
      %dma_start3A_65 = arith.constant 0 : i32
      %dma_start3A_66 = arith.constant 0 : i32
      %dma_start3A_67 = tpu.memref_slice %arg2[%add3A, %dma_start3A_65, %dma_start3A_66] : memref<32x200x128xi32, #tpu.memory_space<hbm>> -> memref<1x200x128xi32, #tpu.memory_space<hbm>>
      %dma_start3A_68 = tpu.memref_squeeze %dma_start3A_67 : memref<1x200x128xi32, #tpu.memory_space<hbm>> -> memref<200x128xi32, #tpu.memory_space<hbm>>
      tpu.enqueue_dma source(%dma_start3A_68 : memref<200x128xi32, #tpu.memory_space<hbm>>) target(%arg5 : memref<200x128xi32, #tpu.memory_space<vmem>>) target_semaphore(%run_scoped3A : memref<!tpu.dma_semaphore, #tpu.memory_space<semaphore_mem>>)
      %dma_wait3A_69 = arith.constant 0 : i32
      %dma_wait3A_70 = arith.constant 0 : i32
      %dma_wait3A_71 = tpu.memref_slice %arg2[%add3A, %dma_wait3A_69, %dma_wait3A_70] : memref<32x200x128xi32, #tpu.memory_space<hbm>> -> memref<1x200x128xi32, #tpu.memory_space<hbm>>
      %dma_wait3A_72 = tpu.memref_squeeze %dma_wait3A_71 : memref<1x200x128xi32, #tpu.memory_space<hbm>> -> memref<200x128xi32, #tpu.memory_space<hbm>>
      %dma_wait3A_73 = arith.constant 0 : i32
      %dma_wait3A_74 = arith.constant 0 : i32
      %dma_wait3A_75 = tpu.memref_slice %arg2[%add3A, %dma_wait3A_73, %dma_wait3A_74] : memref<32x200x128xi32, #tpu.memory_space<hbm>> -> memref<1x200x128xi32, #tpu.memory_space<hbm>>
      %dma_wait3A_76 = tpu.memref_squeeze %dma_wait3A_75 : memref<1x200x128xi32, #tpu.memory_space<hbm>> -> memref<200x128xi32, #tpu.memory_space<hbm>>
      tpu.wait_dma2 semaphore(%run_scoped3A : memref<!tpu.dma_semaphore, #tpu.memory_space<semaphore_mem>>) src(%dma_wait3A_76 : memref<200x128xi32, #tpu.memory_space<hbm>>) dst(%arg5 : memref<200x128xi32, #tpu.memory_space<vmem>>)
      tpu.yield
    }) : () -> ()
    %dma_start3A = arith.constant 0 : i32
    %dma_start3A_3 = arith.constant 0 : i32
    %dma_start3A_4 = arith.constant 0 : i32
    %dma_start3A_5 = tpu.memref_slice %arg6[%dma_start3A_3, %dma_start3A_4] : memref<256x64xf32, #tpu.memory_space<vmem>> -> memref<128x64xf32, #tpu.memory_space<vmem>>
    %dma_start3A_6 = arith.constant 0 : i32
    %dma_start3A_7 = tpu.memref_slice %arg5[%dma_start3A, %dma_start3A_6] : memref<200x128xi32, #tpu.memory_space<vmem>> -> memref<1x128xi32, #tpu.memory_space<vmem>>
    %dma_start3A_8 = tpu.memref_squeeze %dma_start3A_7 : memref<1x128xi32, #tpu.memory_space<vmem>> -> memref<128xi32, #tpu.memory_space<vmem>>
    %dma_start3A_9 = arith.constant 0 : i32
    %dma_start3A_10 = arith.constant 0 : i32
    %dma_start3A_11 = tpu.memref_slice %arg3[%dma_start3A_9, %dma_start3A_10] : memref<1000000x64xf32, #tpu.memory_space<hbm>> -> memref<1000000x64xf32, #tpu.memory_space<hbm>>
    tpu.enqueue_indirect_dma source(%dma_start3A_11 : memref<1000000x64xf32, #tpu.memory_space<hbm>>) target(%dma_start3A_5 : memref<128x64xf32, #tpu.memory_space<vmem>>) offsets(%dma_start3A_8 : memref<128xi32, #tpu.memory_space<vmem>>) semaphore(%arg10 : memref<!tpu.dma_semaphore, #tpu.memory_space<semaphore_mem>>)
    %dma_start3A_12 = arith.constant 1 : i32
    %dma_start3A_13 = arith.constant 128 : i32
    %dma_start3A_14 = arith.constant 0 : i32
    %dma_start3A_15 = tpu.memref_slice %arg6[%dma_start3A_13, %dma_start3A_14] : memref<256x64xf32, #tpu.memory_space<vmem>> -> memref<128x64xf32, #tpu.memory_space<vmem>>
    %dma_start3A_16 = arith.constant 0 : i32
    %dma_start3A_17 = tpu.memref_slice %arg5[%dma_start3A_12, %dma_start3A_16] : memref<200x128xi32, #tpu.memory_space<vmem>> -> memref<1x128xi32, #tpu.memory_space<vmem>>
    %dma_start3A_18 = tpu.memref_squeeze %dma_start3A_17 : memref<1x128xi32, #tpu.memory_space<vmem>> -> memref<128xi32, #tpu.memory_space<vmem>>
    %dma_start3A_19 = arith.constant 0 : i32
    %dma_start3A_20 = arith.constant 0 : i32
    %dma_start3A_21 = tpu.memref_slice %arg3[%dma_start3A_19, %dma_start3A_20] : memref<1000000x64xf32, #tpu.memory_space<hbm>> -> memref<1000000x64xf32, #tpu.memory_space<hbm>>
    tpu.enqueue_indirect_dma source(%dma_start3A_21 : memref<1000000x64xf32, #tpu.memory_space<hbm>>) target(%dma_start3A_15 : memref<128x64xf32, #tpu.memory_space<vmem>>) offsets(%dma_start3A_18 : memref<128xi32, #tpu.memory_space<vmem>>) semaphore(%arg10 : memref<!tpu.dma_semaphore, #tpu.memory_space<semaphore_mem>>)
    %dma_start3A_22 = arith.constant 2 : i32
    %dma_start3A_23 = arith.constant 0 : i32
    %dma_start3A_24 = arith.constant 0 : i32
    %dma_start3A_25 = tpu.memref_slice %arg7[%dma_start3A_23, %dma_start3A_24] : memref<256x64xf32, #tpu.memory_space<vmem>> -> memref<128x64xf32, #tpu.memory_space<vmem>>
    %dma_start3A_26 = arith.constant 0 : i32
    %dma_start3A_27 = tpu.memref_slice %arg5[%dma_start3A_22, %dma_start3A_26] : memref<200x128xi32, #tpu.memory_space<vmem>> -> memref<1x128xi32, #tpu.memory_space<vmem>>
    %dma_start3A_28 = tpu.memref_squeeze %dma_start3A_27 : memref<1x128xi32, #tpu.memory_space<vmem>> -> memref<128xi32, #tpu.memory_space<vmem>>
    %dma_start3A_29 = arith.constant 0 : i32
    %dma_start3A_30 = arith.constant 0 : i32
    %dma_start3A_31 = tpu.memref_slice %arg3[%dma_start3A_29, %dma_start3A_30] : memref<1000000x64xf32, #tpu.memory_space<hbm>> -> memref<1000000x64xf32, #tpu.memory_space<hbm>>
    tpu.enqueue_indirect_dma source(%dma_start3A_31 : memref<1000000x64xf32, #tpu.memory_space<hbm>>) target(%dma_start3A_25 : memref<128x64xf32, #tpu.memory_space<vmem>>) offsets(%dma_start3A_28 : memref<128xi32, #tpu.memory_space<vmem>>) semaphore(%arg11 : memref<!tpu.dma_semaphore, #tpu.memory_space<semaphore_mem>>)
    %dma_start3A_32 = arith.constant 3 : i32
    %dma_start3A_33 = arith.constant 128 : i32
    %dma_start3A_34 = arith.constant 0 : i32
    %dma_start3A_35 = tpu.memref_slice %arg7[%dma_start3A_33, %dma_start3A_34] : memref<256x64xf32, #tpu.memory_space<vmem>> -> memref<128x64xf32, #tpu.memory_space<vmem>>
    %dma_start3A_36 = arith.constant 0 : i32
    %dma_start3A_37 = tpu.memref_slice %arg5[%dma_start3A_32, %dma_start3A_36] : memref<200x128xi32, #tpu.memory_space<vmem>> -> memref<1x128xi32, #tpu.memory_space<vmem>>
    %dma_start3A_38 = tpu.memref_squeeze %dma_start3A_37 : memref<1x128xi32, #tpu.memory_space<vmem>> -> memref<128xi32, #tpu.memory_space<vmem>>
    %dma_start3A_39 = arith.constant 0 : i32
    %dma_start3A_40 = arith.constant 0 : i32
    %dma_start3A_41 = tpu.memref_slice %arg3[%dma_start3A_39, %dma_start3A_40] : memref<1000000x64xf32, #tpu.memory_space<hbm>> -> memref<1000000x64xf32, #tpu.memory_space<hbm>>
    tpu.enqueue_indirect_dma source(%dma_start3A_41 : memref<1000000x64xf32, #tpu.memory_space<hbm>>) target(%dma_start3A_35 : memref<128x64xf32, #tpu.memory_space<vmem>>) offsets(%dma_start3A_38 : memref<128xi32, #tpu.memory_space<vmem>>) semaphore(%arg11 : memref<!tpu.dma_semaphore, #tpu.memory_space<semaphore_mem>>)
    %scan3A = arith.constant 0 : i32
    %scan3A_42 = arith.constant 25 : i32
    %scan3A_43 = arith.addi %scan3A, %scan3A_42 : i32
    %scan3A_44 = arith.constant 1 : i32
    scf.for %scan3A_61 = %scan3A to %scan3A_43 step %scan3A_44  : i32 {
      %mul3A_62 = arith.constant 4 : i32
      %mul3A_63 = arith.muli %scan3A_61, %mul3A_62 : i32
      %add3A_64 = arith.constant 0 : i32
      %add3A_65 = arith.addi %add3A_64, %mul3A_63 : i32
      %add3A_66 = arith.constant 0 : i32
      %add3A_67 = arith.addi %add3A_65, %add3A_66 : i32
      %mul3A_68 = arith.constant 2 : i32
      %mul3A_69 = arith.muli %add3A_67, %mul3A_68 : i32
      %add3A_70 = arith.constant 0 : i32
      %add3A_71 = arith.addi %mul3A_69, %add3A_70 : i32
      %dma_wait3A_72 = arith.constant 0 : i32
      %dma_wait3A_73 = arith.constant 0 : i32
      %dma_wait3A_74 = tpu.memref_slice %arg6[%dma_wait3A_72, %dma_wait3A_73] : memref<256x64xf32, #tpu.memory_space<vmem>> -> memref<128x64xf32, #tpu.memory_space<vmem>>
      %dma_wait3A_75 = arith.constant 0 : i32
      %dma_wait3A_76 = tpu.memref_slice %arg5[%add3A_71, %dma_wait3A_75] : memref<200x128xi32, #tpu.memory_space<vmem>> -> memref<1x128xi32, #tpu.memory_space<vmem>>
      %dma_wait3A_77 = tpu.memref_squeeze %dma_wait3A_76 : memref<1x128xi32, #tpu.memory_space<vmem>> -> memref<128xi32, #tpu.memory_space<vmem>>
      %dma_wait3A_78 = arith.constant 0 : i32
      %dma_wait3A_79 = arith.constant 0 : i32
      %dma_wait3A_80 = tpu.memref_slice %arg3[%dma_wait3A_78, %dma_wait3A_79] : memref<1000000x64xf32, #tpu.memory_space<hbm>> -> memref<1000000x64xf32, #tpu.memory_space<hbm>>
      tpu.wait_indirect_dma semaphore(%arg10 : memref<!tpu.dma_semaphore, #tpu.memory_space<semaphore_mem>>) src(%dma_wait3A_80 : memref<1000000x64xf32, #tpu.memory_space<hbm>>) dst(%dma_wait3A_74 : memref<128x64xf32, #tpu.memory_space<vmem>>)
      %mul3A_81 = arith.constant 2 : i32
      %mul3A_82 = arith.muli %add3A_67, %mul3A_81 : i32
      %add3A_83 = arith.constant 1 : i32
      %add3A_84 = arith.addi %mul3A_82, %add3A_83 : i32
      %dma_wait3A_85 = arith.constant 128 : i32
      %dma_wait3A_86 = arith.constant 0 : i32
      %dma_wait3A_87 = tpu.memref_slice %arg6[%dma_wait3A_85, %dma_wait3A_86] : memref<256x64xf32, #tpu.memory_space<vmem>> -> memref<128x64xf32, #tpu.memory_space<vmem>>
      %dma_wait3A_88 = arith.constant 0 : i32
      %dma_wait3A_89 = tpu.memref_slice %arg5[%add3A_84, %dma_wait3A_88] : memref<200x128xi32, #tpu.memory_space<vmem>> -> memref<1x128xi32, #tpu.memory_space<vmem>>
      %dma_wait3A_90 = tpu.memref_squeeze %dma_wait3A_89 : memref<1x128xi32, #tpu.memory_space<vmem>> -> memref<128xi32, #tpu.memory_space<vmem>>
      %dma_wait3A_91 = arith.constant 0 : i32
      %dma_wait3A_92 = arith.constant 0 : i32
      %dma_wait3A_93 = tpu.memref_slice %arg3[%dma_wait3A_91, %dma_wait3A_92] : memref<1000000x64xf32, #tpu.memory_space<hbm>> -> memref<1000000x64xf32, #tpu.memory_space<hbm>>
      tpu.wait_indirect_dma semaphore(%arg10 : memref<!tpu.dma_semaphore, #tpu.memory_space<semaphore_mem>>) src(%dma_wait3A_93 : memref<1000000x64xf32, #tpu.memory_space<hbm>>) dst(%dma_wait3A_87 : memref<128x64xf32, #tpu.memory_space<vmem>>)
      %scan3A_94 = arith.constant 0 : i32
      %scan3A_95 = arith.constant 256 : i32
      %scan3A_96 = arith.addi %scan3A_94, %scan3A_95 : i32
      %scan3A_97 = arith.constant 4 : i32
      scf.for %scan3A_251 = %scan3A_94 to %scan3A_96 step %scan3A_97  : i32 {
        %mul3A_252 = arith.constant 1 : i32
        %mul3A_253 = arith.muli %scan3A_251, %mul3A_252 : i32
        %add3A_254 = arith.constant 0 : i32
        %add3A_255 = arith.addi %add3A_254, %mul3A_253 : i32
        %get3A = arith.index_cast %add3A_255 : i32 to index
        %get3A_256 = arith.constant 0 : index
        %get3A_257 = tpu.vector_load %arg6[%get3A, %get3A_256] {strides = array<i32>} : memref<256x64xf32, #tpu.memory_space<vmem>>, vector<1x16xf32>,
        %get3A_258 = vector.shape_cast %get3A_257 : vector<1x16xf32> to vector<16xf32>
        %mul3A_259 = arith.constant 8.000000e+00 : f32
        %mul3A_260 = vector.broadcast %mul3A_259 : f32 to vector<16xf32>
        %mul3A_261 = arith.mulf %get3A_258, %mul3A_260 : vector<16xf32>
        %swap3A = arith.index_cast %add3A_255 : i32 to index
        %swap3A_262 = arith.constant 0 : index
        %swap3A_263 = tpu.vector_load %arg6[%swap3A, %swap3A_262] {strides = array<i32>} : memref<256x64xf32, #tpu.memory_space<vmem>>, vector<1x16xf32>,
        %swap3A_264 = vector.shape_cast %swap3A_263 : vector<1x16xf32> to vector<16xf32>
        %swap3A_265 = vector.shape_cast %mul3A_261 : vector<16xf32> to vector<1x16xf32>
        tpu.vector_store %arg6[%swap3A, %swap3A_262], %swap3A_265 {strides = array<i32>} : memref<256x64xf32, #tpu.memory_space<vmem>>, vector<1x16xf32>,
        %get3A_266 = arith.index_cast %add3A_255 : i32 to index
        %get3A_267 = arith.constant 16 : index
        %get3A_268 = tpu.vector_load %arg6[%get3A_266, %get3A_267] {strides = array<i32>} : memref<256x64xf32, #tpu.memory_space<vmem>>, vector<1x16xf32>,
        %get3A_269 = vector.shape_cast %get3A_268 : vector<1x16xf32> to vector<16xf32>
        %mul3A_270 = arith.constant 8.000000e+00 : f32
        %mul3A_271 = vector.broadcast %mul3A_270 : f32 to vector<16xf32>
        %mul3A_272 = arith.mulf %get3A_269, %mul3A_271 : vector<16xf32>
        %swap3A_273 = arith.index_cast %add3A_255 : i32 to index
        %swap3A_274 = arith.constant 16 : index
        %swap3A_275 = tpu.vector_load %arg6[%swap3A_273, %swap3A_274] {strides = array<i32>} : memref<256x64xf32, #tpu.memory_space<vmem>>, vector<1x16xf32>,
        %swap3A_276 = vector.shape_cast %swap3A_275 : vector<1x16xf32> to vector<16xf32>
        %swap3A_277 = vector.shape_cast %mul3A_272 : vector<16xf32> to vector<1x16xf32>
        tpu.vector_store %arg6[%swap3A_273, %swap3A_274], %swap3A_277 {strides = array<i32>} : memref<256x64xf32, #tpu.memory_space<vmem>>, vector<1x16xf32>,
        %get3A_278 = arith.index_cast %add3A_255 : i32 to index
        %get3A_279 = arith.constant 32 : index
        %get3A_280 = tpu.vector_load %arg6[%get3A_278, %get3A_279] {strides = array<i32>} : memref<256x64xf32, #tpu.memory_space<vmem>>, vector<1x16xf32>,
        %get3A_281 = vector.shape_cast %get3A_280 : vector<1x16xf32> to vector<16xf32>
        %mul3A_282 = arith.constant 8.000000e+00 : f32
        %mul3A_283 = vector.broadcast %mul3A_282 : f32 to vector<16xf32>
        %mul3A_284 = arith.mulf %get3A_281, %mul3A_283 : vector<16xf32>
        %swap3A_285 = arith.index_cast %add3A_255 : i32 to index
        %swap3A_286 = arith.constant 32 : index
        %swap3A_287 = tpu.vector_load %arg6[%swap3A_285, %swap3A_286] {strides = array<i32>} : memref<256x64xf32, #tpu.memory_space<vmem>>, vector<1x16xf32>,
        %swap3A_288 = vector.shape_cast %swap3A_287 : vector<1x16xf32> to vector<16xf32>
        %swap3A_289 = vector.shape_cast %mul3A_284 : vector<16xf32> to vector<1x16xf32>
        tpu.vector_store %arg6[%swap3A_285, %swap3A_286], %swap3A_289 {strides = array<i32>} : memref<256x64xf32, #tpu.memory_space<vmem>>, vector<1x16xf32>,
        %get3A_290 = arith.index_cast %add3A_255 : i32 to index
        %get3A_291 = arith.constant 48 : index
        %get3A_292 = tpu.vector_load %arg6[%get3A_290, %get3A_291] {strides = array<i32>} : memref<256x64xf32, #tpu.memory_space<vmem>>, vector<1x16xf32>,
        %get3A_293 = vector.shape_cast %get3A_292 : vector<1x16xf32> to vector<16xf32>
        %mul3A_294 = arith.constant 8.000000e+00 : f32
        %mul3A_295 = vector.broadcast %mul3A_294 : f32 to vector<16xf32>
        %mul3A_296 = arith.mulf %get3A_293, %mul3A_295 : vector<16xf32>
        %swap3A_297 = arith.index_cast %add3A_255 : i32 to index
        %swap3A_298 = arith.constant 48 : index
        %swap3A_299 = tpu.vector_load %arg6[%swap3A_297, %swap3A_298] {strides = array<i32>} : memref<256x64xf32, #tpu.memory_space<vmem>>, vector<1x16xf32>,
        %swap3A_300 = vector.shape_cast %swap3A_299 : vector<1x16xf32> to vector<16xf32>
        %swap3A_301 = vector.shape_cast %mul3A_296 : vector<16xf32> to vector<1x16xf32>
        tpu.vector_store %arg6[%swap3A_297, %swap3A_298], %swap3A_301 {strides = array<i32>} : memref<256x64xf32, #tpu.memory_space<vmem>>, vector<1x16xf32>,
        %scan3A_302 = arith.constant 1 : i32
        %scan3A_303 = arith.addi %scan3A_251, %scan3A_302 : i32
        %mul3A_304 = arith.constant 1 : i32
        %mul3A_305 = arith.muli %scan3A_303, %mul3A_304 : i32
        %add3A_306 = arith.constant 0 : i32
        %add3A_307 = arith.addi %add3A_306, %mul3A_305 : i32
        %get3A_308 = arith.index_cast %add3A_307 : i32 to index
        %get3A_309 = arith.constant 0 : index
        %get3A_310 = tpu.vector_load %arg6[%get3A_308, %get3A_309] {strides = array<i32>} : memref<256x64xf32, #tpu.memory_space<vmem>>, vector<1x16xf32>,
        %get3A_311 = vector.shape_cast %get3A_310 : vector<1x16xf32> to vector<16xf32>
        %mul3A_312 = arith.constant 8.000000e+00 : f32
        %mul3A_313 = vector.broadcast %mul3A_312 : f32 to vector<16xf32>
        %mul3A_314 = arith.mulf %get3A_311, %mul3A_313 : vector<16xf32>
        %swap3A_315 = arith.index_cast %add3A_307 : i32 to index
        %swap3A_316 = arith.constant 0 : index
        %swap3A_317 = tpu.vector_load %arg6[%swap3A_315, %swap3A_316] {strides = array<i32>} : memref<256x64xf32, #tpu.memory_space<vmem>>, vector<1x16xf32>,
        %swap3A_318 = vector.shape_cast %swap3A_317 : vector<1x16xf32> to vector<16xf32>
        %swap3A_319 = vector.shape_cast %mul3A_314 : vector<16xf32> to vector<1x16xf32>
        tpu.vector_store %arg6[%swap3A_315, %swap3A_316], %swap3A_319 {strides = array<i32>} : memref<256x64xf32, #tpu.memory_space<vmem>>, vector<1x16xf32>,
        %get3A_320 = arith.index_cast %add3A_307 : i32 to index
        %get3A_321 = arith.constant 16 : index
        %get3A_322 = tpu.vector_load %arg6[%get3A_320, %get3A_321] {strides = array<i32>} : memref<256x64xf32, #tpu.memory_space<vmem>>, vector<1x16xf32>,
        %get3A_323 = vector.shape_cast %get3A_322 : vector<1x16xf32> to vector<16xf32>
        %mul3A_324 = arith.constant 8.000000e+00 : f32
        %mul3A_325 = vector.broadcast %mul3A_324 : f32 to vector<16xf32>
        %mul3A_326 = arith.mulf %get3A_323, %mul3A_325 : vector<16xf32>
        %swap3A_327 = arith.index_cast %add3A_307 : i32 to index
        %swap3A_328 = arith.constant 16 : index
        %swap3A_329 = tpu.vector_load %arg6[%swap3A_327, %swap3A_328] {strides = array<i32>} : memref<256x64xf32, #tpu.memory_space<vmem>>, vector<1x16xf32>,
        %swap3A_330 = vector.shape_cast %swap3A_329 : vector<1x16xf32> to vector<16xf32>
        %swap3A_331 = vector.shape_cast %mul3A_326 : vector<16xf32> to vector<1x16xf32>
        tpu.vector_store %arg6[%swap3A_327, %swap3A_328], %swap3A_331 {strides = array<i32>} : memref<256x64xf32, #tpu.memory_space<vmem>>, vector<1x16xf32>,
        %get3A_332 = arith.index_cast %add3A_307 : i32 to index
        %get3A_333 = arith.constant 32 : index
        %get3A_334 = tpu.vector_load %arg6[%get3A_332, %get3A_333] {strides = array<i32>} : memref<256x64xf32, #tpu.memory_space<vmem>>, vector<1x16xf32>,
        %get3A_335 = vector.shape_cast %get3A_334 : vector<1x16xf32> to vector<16xf32>
        %mul3A_336 = arith.constant 8.000000e+00 : f32
        %mul3A_337 = vector.broadcast %mul3A_336 : f32 to vector<16xf32>
        %mul3A_338 = arith.mulf %get3A_335, %mul3A_337 : vector<16xf32>
        %swap3A_339 = arith.index_cast %add3A_307 : i32 to index
        %swap3A_340 = arith.constant 32 : index
        %swap3A_341 = tpu.vector_load %arg6[%swap3A_339, %swap3A_340] {strides = array<i32>} : memref<256x64xf32, #tpu.memory_space<vmem>>, vector<1x16xf32>,
        %swap3A_342 = vector.shape_cast %swap3A_341 : vector<1x16xf32> to vector<16xf32>
        %swap3A_343 = vector.shape_cast %mul3A_338 : vector<16xf32> to vector<1x16xf32>
        tpu.vector_store %arg6[%swap3A_339, %swap3A_340], %swap3A_343 {strides = array<i32>} : memref<256x64xf32, #tpu.memory_space<vmem>>, vector<1x16xf32>,
        %get3A_344 = arith.index_cast %add3A_307 : i32 to index
        %get3A_345 = arith.constant 48 : index
        %get3A_346 = tpu.vector_load %arg6[%get3A_344, %get3A_345] {strides = array<i32>} : memref<256x64xf32, #tpu.memory_space<vmem>>, vector<1x16xf32>,
        %get3A_347 = vector.shape_cast %get3A_346 : vector<1x16xf32> to vector<16xf32>
        %mul3A_348 = arith.constant 8.000000e+00 : f32
        %mul3A_349 = vector.broadcast %mul3A_348 : f32 to vector<16xf32>
        %mul3A_350 = arith.mulf %get3A_347, %mul3A_349 : vector<16xf32>
        %swap3A_351 = arith.index_cast %add3A_307 : i32 to index
        %swap3A_352 = arith.constant 48 : index
        %swap3A_353 = tpu.vector_load %arg6[%swap3A_351, %swap3A_352] {strides = array<i32>} : memref<256x64xf32, #tpu.memory_space<vmem>>, vector<1x16xf32>,
        %swap3A_354 = vector.shape_cast %swap3A_353 : vector<1x16xf32> to vector<16xf32>
        %swap3A_355 = vector.shape_cast %mul3A_350 : vector<16xf32> to vector<1x16xf32>
        tpu.vector_store %arg6[%swap3A_351, %swap3A_352], %swap3A_355 {strides = array<i32>} : memref<256x64xf32, #tpu.memory_space<vmem>>, vector<1x16xf32>,
        %scan3A_356 = arith.constant 2 : i32
        %scan3A_357 = arith.addi %scan3A_251, %scan3A_356 : i32
        %mul3A_358 = arith.constant 1 : i32
        %mul3A_359 = arith.muli %scan3A_357, %mul3A_358 : i32
        %add3A_360 = arith.constant 0 : i32
        %add3A_361 = arith.addi %add3A_360, %mul3A_359 : i32
        %get3A_362 = arith.index_cast %add3A_361 : i32 to index
        %get3A_363 = arith.constant 0 : index
        %get3A_364 = tpu.vector_load %arg6[%get3A_362, %get3A_363] {strides = array<i32>} : memref<256x64xf32, #tpu.memory_space<vmem>>, vector<1x16xf32>,
        %get3A_365 = vector.shape_cast %get3A_364 : vector<1x16xf32> to vector<16xf32>
        %mul3A_366 = arith.constant 8.000000e+00 : f32
        %mul3A_367 = vector.broadcast %mul3A_366 : f32 to vector<16xf32>
        %mul3A_368 = arith.mulf %get3A_365, %mul3A_367 : vector<16xf32>
        %swap3A_369 = arith.index_cast %add3A_361 : i32 to index
        %swap3A_370 = arith.constant 0 : index
        %swap3A_371 = tpu.vector_load %arg6[%swap3A_369, %swap3A_370] {strides = array<i32>} : memref<256x64xf32, #tpu.memory_space<vmem>>, vector<1x16xf32>,
        %swap3A_372 = vector.shape_cast %swap3A_371 : vector<1x16xf32> to vector<16xf32>
        %swap3A_373 = vector.shape_cast %mul3A_368 : vector<16xf32> to vector<1x16xf32>
        tpu.vector_store %arg6[%swap3A_369, %swap3A_370], %swap3A_373 {strides = array<i32>} : memref<256x64xf32, #tpu.memory_space<vmem>>, vector<1x16xf32>,
        %get3A_374 = arith.index_cast %add3A_361 : i32 to index
        %get3A_375 = arith.constant 16 : index
        %get3A_376 = tpu.vector_load %arg6[%get3A_374, %get3A_375] {strides = array<i32>} : memref<256x64xf32, #tpu.memory_space<vmem>>, vector<1x16xf32>,
        %get3A_377 = vector.shape_cast %get3A_376 : vector<1x16xf32> to vector<16xf32>
        %mul3A_378 = arith.constant 8.000000e+00 : f32
        %mul3A_379 = vector.broadcast %mul3A_378 : f32 to vector<16xf32>
        %mul3A_380 = arith.mulf %get3A_377, %mul3A_379 : vector<16xf32>
        %swap3A_381 = arith.index_cast %add3A_361 : i32 to index
        %swap3A_382 = arith.constant 16 : index
        %swap3A_383 = tpu.vector_load %arg6[%swap3A_381, %swap3A_382] {strides = array<i32>} : memref<256x64xf32, #tpu.memory_space<vmem>>, vector<1x16xf32>,
        %swap3A_384 = vector.shape_cast %swap3A_383 : vector<1x16xf32> to vector<16xf32>
        %swap3A_385 = vector.shape_cast %mul3A_380 : vector<16xf32> to vector<1x16xf32>
        tpu.vector_store %arg6[%swap3A_381, %swap3A_382], %swap3A_385 {strides = array<i32>} : memref<256x64xf32, #tpu.memory_space<vmem>>, vector<1x16xf32>,
        %get3A_386 = arith.index_cast %add3A_361 : i32 to index
        %get3A_387 = arith.constant 32 : index
        %get3A_388 = tpu.vector_load %arg6[%get3A_386, %get3A_387] {strides = array<i32>} : memref<256x64xf32, #tpu.memory_space<vmem>>, vector<1x16xf32>,
        %get3A_389 = vector.shape_cast %get3A_388 : vector<1x16xf32> to vector<16xf32>
        %mul3A_390 = arith.constant 8.000000e+00 : f32
        %mul3A_391 = vector.broadcast %mul3A_390 : f32 to vector<16xf32>
        %mul3A_392 = arith.mulf %get3A_389, %mul3A_391 : vector<16xf32>
        %swap3A_393 = arith.index_cast %add3A_361 : i32 to index
        %swap3A_394 = arith.constant 32 : index
        %swap3A_395 = tpu.vector_load %arg6[%swap3A_393, %swap3A_394] {strides = array<i32>} : memref<256x64xf32, #tpu.memory_space<vmem>>, vector<1x16xf32>,
        %swap3A_396 = vector.shape_cast %swap3A_395 : vector<1x16xf32> to vector<16xf32>
        %swap3A_397 = vector.shape_cast %mul3A_392 : vector<16xf32> to vector<1x16xf32>
        tpu.vector_store %arg6[%swap3A_393, %swap3A_394], %swap3A_397 {strides = array<i32>} : memref<256x64xf32, #tpu.memory_space<vmem>>, vector<1x16xf32>,
        %get3A_398 = arith.index_cast %add3A_361 : i32 to index
        %get3A_399 = arith.constant 48 : index
        %get3A_400 = tpu.vector_load %arg6[%get3A_398, %get3A_399] {strides = array<i32>} : memref<256x64xf32, #tpu.memory_space<vmem>>, vector<1x16xf32>,
        %get3A_401 = vector.shape_cast %get3A_400 : vector<1x16xf32> to vector<16xf32>
        %mul3A_402 = arith.constant 8.000000e+00 : f32
        %mul3A_403 = vector.broadcast %mul3A_402 : f32 to vector<16xf32>
        %mul3A_404 = arith.mulf %get3A_401, %mul3A_403 : vector<16xf32>
        %swap3A_405 = arith.index_cast %add3A_361 : i32 to index
        %swap3A_406 = arith.constant 48 : index
        %swap3A_407 = tpu.vector_load %arg6[%swap3A_405, %swap3A_406] {strides = array<i32>} : memref<256x64xf32, #tpu.memory_space<vmem>>, vector<1x16xf32>,
        %swap3A_408 = vector.shape_cast %swap3A_407 : vector<1x16xf32> to vector<16xf32>
        %swap3A_409 = vector.shape_cast %mul3A_404 : vector<16xf32> to vector<1x16xf32>
        tpu.vector_store %arg6[%swap3A_405, %swap3A_406], %swap3A_409 {strides = array<i32>} : memref<256x64xf32, #tpu.memory_space<vmem>>, vector<1x16xf32>,
        %scan3A_410 = arith.constant 3 : i32
        %scan3A_411 = arith.addi %scan3A_251, %scan3A_410 : i32
        %mul3A_412 = arith.constant 1 : i32
        %mul3A_413 = arith.muli %scan3A_411, %mul3A_412 : i32
        %add3A_414 = arith.constant 0 : i32
        %add3A_415 = arith.addi %add3A_414, %mul3A_413 : i32
        %get3A_416 = arith.index_cast %add3A_415 : i32 to index
        %get3A_417 = arith.constant 0 : index
        %get3A_418 = tpu.vector_load %arg6[%get3A_416, %get3A_417] {strides = array<i32>} : memref<256x64xf32, #tpu.memory_space<vmem>>, vector<1x16xf32>,
        %get3A_419 = vector.shape_cast %get3A_418 : vector<1x16xf32> to vector<16xf32>
        %mul3A_420 = arith.constant 8.000000e+00 : f32
        %mul3A_421 = vector.broadcast %mul3A_420 : f32 to vector<16xf32>
        %mul3A_422 = arith.mulf %get3A_419, %mul3A_421 : vector<16xf32>
        %swap3A_423 = arith.index_cast %add3A_415 : i32 to index
        %swap3A_424 = arith.constant 0 : index
        %swap3A_425 = tpu.vector_load %arg6[%swap3A_423, %swap3A_424] {strides = array<i32>} : memref<256x64xf32, #tpu.memory_space<vmem>>, vector<1x16xf32>,
        %swap3A_426 = vector.shape_cast %swap3A_425 : vector<1x16xf32> to vector<16xf32>
        %swap3A_427 = vector.shape_cast %mul3A_422 : vector<16xf32> to vector<1x16xf32>
        tpu.vector_store %arg6[%swap3A_423, %swap3A_424], %swap3A_427 {strides = array<i32>} : memref<256x64xf32, #tpu.memory_space<vmem>>, vector<1x16xf32>,
        %get3A_428 = arith.index_cast %add3A_415 : i32 to index
        %get3A_429 = arith.constant 16 : index
        %get3A_430 = tpu.vector_load %arg6[%get3A_428, %get3A_429] {strides = array<i32>} : memref<256x64xf32, #tpu.memory_space<vmem>>, vector<1x16xf32>,
        %get3A_431 = vector.shape_cast %get3A_430 : vector<1x16xf32> to vector<16xf32>
        %mul3A_432 = arith.constant 8.000000e+00 : f32
        %mul3A_433 = vector.broadcast %mul3A_432 : f32 to vector<16xf32>
        %mul3A_434 = arith.mulf %get3A_431, %mul3A_433 : vector<16xf32>
        %swap3A_435 = arith.index_cast %add3A_415 : i32 to index
        %swap3A_436 = arith.constant 16 : index
        %swap3A_437 = tpu.vector_load %arg6[%swap3A_435, %swap3A_436] {strides = array<i32>} : memref<256x64xf32, #tpu.memory_space<vmem>>, vector<1x16xf32>,
        %swap3A_438 = vector.shape_cast %swap3A_437 : vector<1x16xf32> to vector<16xf32>
        %swap3A_439 = vector.shape_cast %mul3A_434 : vector<16xf32> to vector<1x16xf32>
        tpu.vector_store %arg6[%swap3A_435, %swap3A_436], %swap3A_439 {strides = array<i32>} : memref<256x64xf32, #tpu.memory_space<vmem>>, vector<1x16xf32>,
        %get3A_440 = arith.index_cast %add3A_415 : i32 to index
        %get3A_441 = arith.constant 32 : index
        %get3A_442 = tpu.vector_load %arg6[%get3A_440, %get3A_441] {strides = array<i32>} : memref<256x64xf32, #tpu.memory_space<vmem>>, vector<1x16xf32>,
        %get3A_443 = vector.shape_cast %get3A_442 : vector<1x16xf32> to vector<16xf32>
        %mul3A_444 = arith.constant 8.000000e+00 : f32
        %mul3A_445 = vector.broadcast %mul3A_444 : f32 to vector<16xf32>
        %mul3A_446 = arith.mulf %get3A_443, %mul3A_445 : vector<16xf32>
        %swap3A_447 = arith.index_cast %add3A_415 : i32 to index
        %swap3A_448 = arith.constant 32 : index
        %swap3A_449 = tpu.vector_load %arg6[%swap3A_447, %swap3A_448] {strides = array<i32>} : memref<256x64xf32, #tpu.memory_space<vmem>>, vector<1x16xf32>,
        %swap3A_450 = vector.shape_cast %swap3A_449 : vector<1x16xf32> to vector<16xf32>
        %swap3A_451 = vector.shape_cast %mul3A_446 : vector<16xf32> to vector<1x16xf32>
        tpu.vector_store %arg6[%swap3A_447, %swap3A_448], %swap3A_451 {strides = array<i32>} : memref<256x64xf32, #tpu.memory_space<vmem>>, vector<1x16xf32>,
        %get3A_452 = arith.index_cast %add3A_415 : i32 to index
        %get3A_453 = arith.constant 48 : index
        %get3A_454 = tpu.vector_load %arg6[%get3A_452, %get3A_453] {strides = array<i32>} : memref<256x64xf32, #tpu.memory_space<vmem>>, vector<1x16xf32>,
        %get3A_455 = vector.shape_cast %get3A_454 : vector<1x16xf32> to vector<16xf32>
        %mul3A_456 = arith.constant 8.000000e+00 : f32
        %mul3A_457 = vector.broadcast %mul3A_456 : f32 to vector<16xf32>
        %mul3A_458 = arith.mulf %get3A_455, %mul3A_457 : vector<16xf32>
        %swap3A_459 = arith.index_cast %add3A_415 : i32 to index
        %swap3A_460 = arith.constant 48 : index
        %swap3A_461 = tpu.vector_load %arg6[%swap3A_459, %swap3A_460] {strides = array<i32>} : memref<256x64xf32, #tpu.memory_space<vmem>>, vector<1x16xf32>,
        %swap3A_462 = vector.shape_cast %swap3A_461 : vector<1x16xf32> to vector<16xf32>
        %swap3A_463 = vector.shape_cast %mul3A_458 : vector<16xf32> to vector<1x16xf32>
        tpu.vector_store %arg6[%swap3A_459, %swap3A_460], %swap3A_463 {strides = array<i32>} : memref<256x64xf32, #tpu.memory_space<vmem>>, vector<1x16xf32>,
      }
      %scan3A_98 = arith.constant 256 : i32
      %mul3A_99 = arith.constant 256 : i32
      %mul3A_100 = arith.muli %add3A_67, %mul3A_99 : i32
      %add3A_101 = arith.addi %mul3A_2, %mul3A_100 : i32
      %dma_start3A_102 = arith.constant 0 : i32
      %dma_start3A_103 = tpu.memref_slice %arg4[%add3A_101, %dma_start3A_102] : memref<819200x64xf32, #tpu.memory_space<hbm>> -> memref<256x64xf32, #tpu.memory_space<hbm>>
      %dma_start3A_104 = arith.constant 0 : i32
      %dma_start3A_105 = tpu.memref_slice %arg4[%add3A_101, %dma_start3A_104] : memref<819200x64xf32, #tpu.memory_space<hbm>> -> memref<256x64xf32, #tpu.memory_space<hbm>>
      tpu.enqueue_dma source(%arg6 : memref<256x64xf32, #tpu.memory_space<vmem>>) target(%dma_start3A_105 : memref<256x64xf32, #tpu.memory_space<hbm>>) target_semaphore(%arg14 : memref<!tpu.dma_semaphore, #tpu.memory_space<semaphore_mem>>)
      %add3A_106 = arith.constant 2 : i32
      %add3A_107 = arith.addi %add3A_67, %add3A_106 : i32
      %lt3A = arith.constant 100 : i32
      %lt3A_108 = arith.cmpi slt, %add3A_107, %lt3A : i32
      %convert_element_type3A = arith.extui %lt3A_108 : i1 to i32
      %cond3A = arith.constant 0 : i32
      %cond3A_109 = arith.cmpi ne, %convert_element_type3A, %cond3A : i32
      scf.if %cond3A_109 {
        %add3A_251 = arith.constant 2 : i32
        %add3A_252 = arith.addi %add3A_67, %add3A_251 : i32
        %ge3A = arith.constant 4 : i32
        %ge3A_253 = arith.cmpi sge, %add3A_252, %ge3A : i32
        %convert_element_type3A_254 = arith.extui %ge3A_253 : i1 to i32
        %cond3A_255 = arith.constant 0 : i32
        %cond3A_256 = arith.cmpi ne, %convert_element_type3A_254, %cond3A_255 : i32
        scf.if %cond3A_256 {
          %dma_wait3A_285 = arith.constant 0 : i32
          %dma_wait3A_286 = tpu.memref_slice %arg4[%mul3A_2, %dma_wait3A_285] : memref<819200x64xf32, #tpu.memory_space<hbm>> -> memref<256x64xf32, #tpu.memory_space<hbm>>
          %dma_wait3A_287 = arith.constant 0 : i32
          %dma_wait3A_288 = tpu.memref_slice %arg4[%mul3A_2, %dma_wait3A_287] : memref<819200x64xf32, #tpu.memory_space<hbm>> -> memref<256x64xf32, #tpu.memory_space<hbm>>
          tpu.wait_dma2 semaphore(%arg16 : memref<!tpu.dma_semaphore, #tpu.memory_space<semaphore_mem>>) src(%arg8 : memref<256x64xf32, #tpu.memory_space<vmem>>) dst(%dma_wait3A_288 : memref<256x64xf32, #tpu.memory_space<hbm>>)
        } else {
        }
        %add3A_257 = arith.constant 2 : i32
        %add3A_258 = arith.addi %add3A_67, %add3A_257 : i32
        %mul3A_259 = arith.constant 2 : i32
        %mul3A_260 = arith.muli %add3A_258, %mul3A_259 : i32
        %add3A_261 = arith.constant 0 : i32
        %add3A_262 = arith.addi %mul3A_260, %add3A_261 : i32
        %dma_start3A_263 = arith.constant 0 : i32
        %dma_start3A_264 = arith.constant 0 : i32
        %dma_start3A_265 = tpu.memref_slice %arg8[%dma_start3A_263, %dma_start3A_264] : memref<256x64xf32, #tpu.memory_space<vmem>> -> memref<128x64xf32, #tpu.memory_space<vmem>>
        %dma_start3A_266 = arith.constant 0 : i32
        %dma_start3A_267 = tpu.memref_slice %arg5[%add3A_262, %dma_start3A_266] : memref<200x128xi32, #tpu.memory_space<vmem>> -> memref<1x128xi32, #tpu.memory_space<vmem>>
        %dma_start3A_268 = tpu.memref_squeeze %dma_start3A_267 : memref<1x128xi32, #tpu.memory_space<vmem>> -> memref<128xi32, #tpu.memory_space<vmem>>
        %dma_start3A_269 = arith.constant 0 : i32
        %dma_start3A_270 = arith.constant 0 : i32
        %dma_start3A_271 = tpu.memref_slice %arg3[%dma_start3A_269, %dma_start3A_270] : memref<1000000x64xf32, #tpu.memory_space<hbm>> -> memref<1000000x64xf32, #tpu.memory_space<hbm>>
        tpu.enqueue_indirect_dma source(%dma_start3A_271 : memref<1000000x64xf32, #tpu.memory_space<hbm>>) target(%dma_start3A_265 : memref<128x64xf32, #tpu.memory_space<vmem>>) offsets(%dma_start3A_268 : memref<128xi32, #tpu.memory_space<vmem>>) semaphore(%arg12 : memref<!tpu.dma_semaphore, #tpu.memory_space<semaphore_mem>>)
        %mul3A_272 = arith.constant 2 : i32
        %mul3A_273 = arith.muli %add3A_258, %mul3A_272 : i32
        %add3A_274 = arith.constant 1 : i32
        %add3A_275 = arith.addi %mul3A_273, %add3A_274 : i32
        %dma_start3A_276 = arith.constant 128 : i32
        %dma_start3A_277 = arith.constant 0 : i32
        %dma_start3A_278 = tpu.memref_slice %arg8[%dma_start3A_276, %dma_start3A_277] : memref<256x64xf32, #tpu.memory_space<vmem>> -> memref<128x64xf32, #tpu.memory_space<vmem>>
        %dma_start3A_279 = arith.constant 0 : i32
        %dma_start3A_280 = tpu.memref_slice %arg5[%add3A_275, %dma_start3A_279] : memref<200x128xi32, #tpu.memory_space<vmem>> -> memref<1x128xi32, #tpu.memory_space<vmem>>
        %dma_start3A_281 = tpu.memref_squeeze %dma_start3A_280 : memref<1x128xi32, #tpu.memory_space<vmem>> -> memref<128xi32, #tpu.memory_space<vmem>>
        %dma_start3A_282 = arith.constant 0 : i32
        %dma_start3A_283 = arith.constant 0 : i32
        %dma_start3A_284 = tpu.memref_slice %arg3[%dma_start3A_282, %dma_start3A_283] : memref<1000000x64xf32, #tpu.memory_space<hbm>> -> memref<1000000x64xf32, #tpu.memory_space<hbm>>
        tpu.enqueue_indirect_dma source(%dma_start3A_284 : memref<1000000x64xf32, #tpu.memory_space<hbm>>) target(%dma_start3A_278 : memref<128x64xf32, #tpu.memory_space<vmem>>) offsets(%dma_start3A_281 : memref<128xi32, #tpu.memory_space<vmem>>) semaphore(%arg12 : memref<!tpu.dma_semaphore, #tpu.memory_space<semaphore_mem>>)
      } else {
      }
      %add3A_110 = arith.constant 1 : i32
      %add3A_111 = arith.addi %add3A_65, %add3A_110 : i32
      %mul3A_112 = arith.constant 2 : i32
      %mul3A_113 = arith.muli %add3A_111, %mul3A_112 : i32
      %add3A_114 = arith.constant 0 : i32
      %add3A_115 = arith.addi %mul3A_113, %add3A_114 : i32
      %dma_wait3A_116 = arith.constant 0 : i32
      %dma_wait3A_117 = arith.constant 0 : i32
      %dma_wait3A_118 = tpu.memref_slice %arg7[%dma_wait3A_116, %dma_wait3A_117] : memref<256x64xf32, #tpu.memory_space<vmem>> -> memref<128x64xf32, #tpu.memory_space<vmem>>
      %dma_wait3A_119 = arith.constant 0 : i32
      %dma_wait3A_120 = tpu.memref_slice %arg5[%add3A_115, %dma_wait3A_119] : memref<200x128xi32, #tpu.memory_space<vmem>> -> memref<1x128xi32, #tpu.memory_space<vmem>>
      %dma_wait3A_121 = tpu.memref_squeeze %dma_wait3A_120 : memref<1x128xi32, #tpu.memory_space<vmem>> -> memref<128xi32, #tpu.memory_space<vmem>>
      %dma_wait3A_122 = arith.constant 0 : i32
      %dma_wait3A_123 = arith.constant 0 : i32
      %dma_wait3A_124 = tpu.memref_slice %arg3[%dma_wait3A_122, %dma_wait3A_123] : memref<1000000x64xf32, #tpu.memory_space<hbm>> -> memref<1000000x64xf32, #tpu.memory_space<hbm>>
      tpu.wait_indirect_dma semaphore(%arg11 : memref<!tpu.dma_semaphore, #tpu.memory_space<semaphore_mem>>) src(%dma_wait3A_124 : memref<1000000x64xf32, #tpu.memory_space<hbm>>) dst(%dma_wait3A_118 : memref<128x64xf32, #tpu.memory_space<vmem>>)
      %mul3A_125 = arith.constant 2 : i32
      %mul3A_126 = arith.muli %add3A_111, %mul3A_125 : i32
      %add3A_127 = arith.constant 1 : i32
      %add3A_128 = arith.addi %mul3A_126, %add3A_127 : i32
      %dma_wait3A_129 = arith.constant 128 : i32
      %dma_wait3A_130 = arith.constant 0 : i32
      %dma_wait3A_131 = tpu.memref_slice %arg7[%dma_wait3A_129, %dma_wait3A_130] : memref<256x64xf32, #tpu.memory_space<vmem>> -> memref<128x64xf32, #tpu.memory_space<vmem>>
      %dma_wait3A_132 = arith.constant 0 : i32
      %dma_wait3A_133 = tpu.memref_slice %arg5[%add3A_128, %dma_wait3A_132] : memref<200x128xi32, #tpu.memory_space<vmem>> -> memref<1x128xi32, #tpu.memory_space<vmem>>
      %dma_wait3A_134 = tpu.memref_squeeze %dma_wait3A_133 : memref<1x128xi32, #tpu.memory_space<vmem>> -> memref<128xi32, #tpu.memory_space<vmem>>
      %dma_wait3A_135 = arith.constant 0 : i32
      %dma_wait3A_136 = arith.constant 0 : i32
      %dma_wait3A_137 = tpu.memref_slice %arg3[%dma_wait3A_135, %dma_wait3A_136] : memref<1000000x64xf32, #tpu.memory_space<hbm>> -> memref<1000000x64xf32, #tpu.memory_space<hbm>>
      tpu.wait_indirect_dma semaphore(%arg11 : memref<!tpu.dma_semaphore, #tpu.memory_space<semaphore_mem>>) src(%dma_wait3A_137 : memref<1000000x64xf32, #tpu.memory_space<hbm>>) dst(%dma_wait3A_131 : memref<128x64xf32, #tpu.memory_space<vmem>>)
      %scan3A_138 = arith.constant 0 : i32
      %scan3A_139 = arith.constant 256 : i32
      %scan3A_140 = arith.addi %scan3A_138, %scan3A_139 : i32
      %scan3A_141 = arith.constant 4 : i32
      scf.for %scan3A_251 = %scan3A_138 to %scan3A_140 step %scan3A_141  : i32 {
        %mul3A_252 = arith.constant 1 : i32
        %mul3A_253 = arith.muli %scan3A_251, %mul3A_252 : i32
        %add3A_254 = arith.constant 0 : i32
        %add3A_255 = arith.addi %add3A_254, %mul3A_253 : i32
        %get3A = arith.index_cast %add3A_255 : i32 to index
        %get3A_256 = arith.constant 0 : index
        %get3A_257 = tpu.vector_load %arg7[%get3A, %get3A_256] {strides = array<i32>} : memref<256x64xf32, #tpu.memory_space<vmem>>, vector<1x16xf32>,
        %get3A_258 = vector.shape_cast %get3A_257 : vector<1x16xf32> to vector<16xf32>
        %mul3A_259 = arith.constant 8.000000e+00 : f32
        %mul3A_260 = vector.broadcast %mul3A_259 : f32 to vector<16xf32>
        %mul3A_261 = arith.mulf %get3A_258, %mul3A_260 : vector<16xf32>
        %swap3A = arith.index_cast %add3A_255 : i32 to index
        %swap3A_262 = arith.constant 0 : index
        %swap3A_263 = tpu.vector_load %arg7[%swap3A, %swap3A_262] {strides = array<i32>} : memref<256x64xf32, #tpu.memory_space<vmem>>, vector<1x16xf32>,
        %swap3A_264 = vector.shape_cast %swap3A_263 : vector<1x16xf32> to vector<16xf32>
        %swap3A_265 = vector.shape_cast %mul3A_261 : vector<16xf32> to vector<1x16xf32>
        tpu.vector_store %arg7[%swap3A, %swap3A_262], %swap3A_265 {strides = array<i32>} : memref<256x64xf32, #tpu.memory_space<vmem>>, vector<1x16xf32>,
        %get3A_266 = arith.index_cast %add3A_255 : i32 to index
        %get3A_267 = arith.constant 16 : index
        %get3A_268 = tpu.vector_load %arg7[%get3A_266, %get3A_267] {strides = array<i32>} : memref<256x64xf32, #tpu.memory_space<vmem>>, vector<1x16xf32>,
        %get3A_269 = vector.shape_cast %get3A_268 : vector<1x16xf32> to vector<16xf32>
        %mul3A_270 = arith.constant 8.000000e+00 : f32
        %mul3A_271 = vector.broadcast %mul3A_270 : f32 to vector<16xf32>
        %mul3A_272 = arith.mulf %get3A_269, %mul3A_271 : vector<16xf32>
        %swap3A_273 = arith.index_cast %add3A_255 : i32 to index
        %swap3A_274 = arith.constant 16 : index
        %swap3A_275 = tpu.vector_load %arg7[%swap3A_273, %swap3A_274] {strides = array<i32>} : memref<256x64xf32, #tpu.memory_space<vmem>>, vector<1x16xf32>,
        %swap3A_276 = vector.shape_cast %swap3A_275 : vector<1x16xf32> to vector<16xf32>
        %swap3A_277 = vector.shape_cast %mul3A_272 : vector<16xf32> to vector<1x16xf32>
        tpu.vector_store %arg7[%swap3A_273, %swap3A_274], %swap3A_277 {strides = array<i32>} : memref<256x64xf32, #tpu.memory_space<vmem>>, vector<1x16xf32>,
        %get3A_278 = arith.index_cast %add3A_255 : i32 to index
        %get3A_279 = arith.constant 32 : index
        %get3A_280 = tpu.vector_load %arg7[%get3A_278, %get3A_279] {strides = array<i32>} : memref<256x64xf32, #tpu.memory_space<vmem>>, vector<1x16xf32>,
        %get3A_281 = vector.shape_cast %get3A_280 : vector<1x16xf32> to vector<16xf32>
        %mul3A_282 = arith.constant 8.000000e+00 : f32
        %mul3A_283 = vector.broadcast %mul3A_282 : f32 to vector<16xf32>
        %mul3A_284 = arith.mulf %get3A_281, %mul3A_283 : vector<16xf32>
        %swap3A_285 = arith.index_cast %add3A_255 : i32 to index
        %swap3A_286 = arith.constant 32 : index
        %swap3A_287 = tpu.vector_load %arg7[%swap3A_285, %swap3A_286] {strides = array<i32>} : memref<256x64xf32, #tpu.memory_space<vmem>>, vector<1x16xf32>,
        %swap3A_288 = vector.shape_cast %swap3A_287 : vector<1x16xf32> to vector<16xf32>
        %swap3A_289 = vector.shape_cast %mul3A_284 : vector<16xf32> to vector<1x16xf32>
        tpu.vector_store %arg7[%swap3A_285, %swap3A_286], %swap3A_289 {strides = array<i32>} : memref<256x64xf32, #tpu.memory_space<vmem>>, vector<1x16xf32>,
        %get3A_290 = arith.index_cast %add3A_255 : i32 to index
        %get3A_291 = arith.constant 48 : index
        %get3A_292 = tpu.vector_load %arg7[%get3A_290, %get3A_291] {strides = array<i32>} : memref<256x64xf32, #tpu.memory_space<vmem>>, vector<1x16xf32>,
        %get3A_293 = vector.shape_cast %get3A_292 : vector<1x16xf32> to vector<16xf32>
        %mul3A_294 = arith.constant 8.000000e+00 : f32
        %mul3A_295 = vector.broadcast %mul3A_294 : f32 to vector<16xf32>
        %mul3A_296 = arith.mulf %get3A_293, %mul3A_295 : vector<16xf32>
        %swap3A_297 = arith.index_cast %add3A_255 : i32 to index
        %swap3A_298 = arith.constant 48 : index
        %swap3A_299 = tpu.vector_load %arg7[%swap3A_297, %swap3A_298] {strides = array<i32>} : memref<256x64xf32, #tpu.memory_space<vmem>>, vector<1x16xf32>,
        %swap3A_300 = vector.shape_cast %swap3A_299 : vector<1x16xf32> to vector<16xf32>
        %swap3A_301 = vector.shape_cast %mul3A_296 : vector<16xf32> to vector<1x16xf32>
        tpu.vector_store %arg7[%swap3A_297, %swap3A_298], %swap3A_301 {strides = array<i32>} : memref<256x64xf32, #tpu.memory_space<vmem>>, vector<1x16xf32>,
        %scan3A_302 = arith.constant 1 : i32
        %scan3A_303 = arith.addi %scan3A_251, %scan3A_302 : i32
        %mul3A_304 = arith.constant 1 : i32
        %mul3A_305 = arith.muli %scan3A_303, %mul3A_304 : i32
        %add3A_306 = arith.constant 0 : i32
        %add3A_307 = arith.addi %add3A_306, %mul3A_305 : i32
        %get3A_308 = arith.index_cast %add3A_307 : i32 to index
        %get3A_309 = arith.constant 0 : index
        %get3A_310 = tpu.vector_load %arg7[%get3A_308, %get3A_309] {strides = array<i32>} : memref<256x64xf32, #tpu.memory_space<vmem>>, vector<1x16xf32>,
        %get3A_311 = vector.shape_cast %get3A_310 : vector<1x16xf32> to vector<16xf32>
        %mul3A_312 = arith.constant 8.000000e+00 : f32
        %mul3A_313 = vector.broadcast %mul3A_312 : f32 to vector<16xf32>
        %mul3A_314 = arith.mulf %get3A_311, %mul3A_313 : vector<16xf32>
        %swap3A_315 = arith.index_cast %add3A_307 : i32 to index
        %swap3A_316 = arith.constant 0 : index
        %swap3A_317 = tpu.vector_load %arg7[%swap3A_315, %swap3A_316] {strides = array<i32>} : memref<256x64xf32, #tpu.memory_space<vmem>>, vector<1x16xf32>,
        %swap3A_318 = vector.shape_cast %swap3A_317 : vector<1x16xf32> to vector<16xf32>
        %swap3A_319 = vector.shape_cast %mul3A_314 : vector<16xf32> to vector<1x16xf32>
        tpu.vector_store %arg7[%swap3A_315, %swap3A_316], %swap3A_319 {strides = array<i32>} : memref<256x64xf32, #tpu.memory_space<vmem>>, vector<1x16xf32>,
        %get3A_320 = arith.index_cast %add3A_307 : i32 to index
        %get3A_321 = arith.constant 16 : index
        %get3A_322 = tpu.vector_load %arg7[%get3A_320, %get3A_321] {strides = array<i32>} : memref<256x64xf32, #tpu.memory_space<vmem>>, vector<1x16xf32>,
        %get3A_323 = vector.shape_cast %get3A_322 : vector<1x16xf32> to vector<16xf32>
        %mul3A_324 = arith.constant 8.000000e+00 : f32
        %mul3A_325 = vector.broadcast %mul3A_324 : f32 to vector<16xf32>
        %mul3A_326 = arith.mulf %get3A_323, %mul3A_325 : vector<16xf32>
        %swap3A_327 = arith.index_cast %add3A_307 : i32 to index
        %swap3A_328 = arith.constant 16 : index
        %swap3A_329 = tpu.vector_load %arg7[%swap3A_327, %swap3A_328] {strides = array<i32>} : memref<256x64xf32, #tpu.memory_space<vmem>>, vector<1x16xf32>,
        %swap3A_330 = vector.shape_cast %swap3A_329 : vector<1x16xf32> to vector<16xf32>
        %swap3A_331 = vector.shape_cast %mul3A_326 : vector<16xf32> to vector<1x16xf32>
        tpu.vector_store %arg7[%swap3A_327, %swap3A_328], %swap3A_331 {strides = array<i32>} : memref<256x64xf32, #tpu.memory_space<vmem>>, vector<1x16xf32>,
        %get3A_332 = arith.index_cast %add3A_307 : i32 to index
        %get3A_333 = arith.constant 32 : index
        %get3A_334 = tpu.vector_load %arg7[%get3A_332, %get3A_333] {strides = array<i32>} : memref<256x64xf32, #tpu.memory_space<vmem>>, vector<1x16xf32>,
        %get3A_335 = vector.shape_cast %get3A_334 : vector<1x16xf32> to vector<16xf32>
        %mul3A_336 = arith.constant 8.000000e+00 : f32
        %mul3A_337 = vector.broadcast %mul3A_336 : f32 to vector<16xf32>
        %mul3A_338 = arith.mulf %get3A_335, %mul3A_337 : vector<16xf32>
        %swap3A_339 = arith.index_cast %add3A_307 : i32 to index
        %swap3A_340 = arith.constant 32 : index
        %swap3A_341 = tpu.vector_load %arg7[%swap3A_339, %swap3A_340] {strides = array<i32>} : memref<256x64xf32, #tpu.memory_space<vmem>>, vector<1x16xf32>,
        %swap3A_342 = vector.shape_cast %swap3A_341 : vector<1x16xf32> to vector<16xf32>
        %swap3A_343 = vector.shape_cast %mul3A_338 : vector<16xf32> to vector<1x16xf32>
        tpu.vector_store %arg7[%swap3A_339, %swap3A_340], %swap3A_343 {strides = array<i32>} : memref<256x64xf32, #tpu.memory_space<vmem>>, vector<1x16xf32>,
        %get3A_344 = arith.index_cast %add3A_307 : i32 to index
        %get3A_345 = arith.constant 48 : index
        %get3A_346 = tpu.vector_load %arg7[%get3A_344, %get3A_345] {strides = array<i32>} : memref<256x64xf32, #tpu.memory_space<vmem>>, vector<1x16xf32>,
        %get3A_347 = vector.shape_cast %get3A_346 : vector<1x16xf32> to vector<16xf32>
        %mul3A_348 = arith.constant 8.000000e+00 : f32
        %mul3A_349 = vector.broadcast %mul3A_348 : f32 to vector<16xf32>
        %mul3A_350 = arith.mulf %get3A_347, %mul3A_349 : vector<16xf32>
        %swap3A_351 = arith.index_cast %add3A_307 : i32 to index
        %swap3A_352 = arith.constant 48 : index
        %swap3A_353 = tpu.vector_load %arg7[%swap3A_351, %swap3A_352] {strides = array<i32>} : memref<256x64xf32, #tpu.memory_space<vmem>>, vector<1x16xf32>,
        %swap3A_354 = vector.shape_cast %swap3A_353 : vector<1x16xf32> to vector<16xf32>
        %swap3A_355 = vector.shape_cast %mul3A_350 : vector<16xf32> to vector<1x16xf32>
        tpu.vector_store %arg7[%swap3A_351, %swap3A_352], %swap3A_355 {strides = array<i32>} : memref<256x64xf32, #tpu.memory_space<vmem>>, vector<1x16xf32>,
        %scan3A_356 = arith.constant 2 : i32
        %scan3A_357 = arith.addi %scan3A_251, %scan3A_356 : i32
        %mul3A_358 = arith.constant 1 : i32
        %mul3A_359 = arith.muli %scan3A_357, %mul3A_358 : i32
        %add3A_360 = arith.constant 0 : i32
        %add3A_361 = arith.addi %add3A_360, %mul3A_359 : i32
        %get3A_362 = arith.index_cast %add3A_361 : i32 to index
        %get3A_363 = arith.constant 0 : index
        %get3A_364 = tpu.vector_load %arg7[%get3A_362, %get3A_363] {strides = array<i32>} : memref<256x64xf32, #tpu.memory_space<vmem>>, vector<1x16xf32>,
        %get3A_365 = vector.shape_cast %get3A_364 : vector<1x16xf32> to vector<16xf32>
        %mul3A_366 = arith.constant 8.000000e+00 : f32
        %mul3A_367 = vector.broadcast %mul3A_366 : f32 to vector<16xf32>
        %mul3A_368 = arith.mulf %get3A_365, %mul3A_367 : vector<16xf32>
        %swap3A_369 = arith.index_cast %add3A_361 : i32 to index
        %swap3A_370 = arith.constant 0 : index
        %swap3A_371 = tpu.vector_load %arg7[%swap3A_369, %swap3A_370] {strides = array<i32>} : memref<256x64xf32, #tpu.memory_space<vmem>>, vector<1x16xf32>,
        %swap3A_372 = vector.shape_cast %swap3A_371 : vector<1x16xf32> to vector<16xf32>
        %swap3A_373 = vector.shape_cast %mul3A_368 : vector<16xf32> to vector<1x16xf32>
        tpu.vector_store %arg7[%swap3A_369, %swap3A_370], %swap3A_373 {strides = array<i32>} : memref<256x64xf32, #tpu.memory_space<vmem>>, vector<1x16xf32>,
        %get3A_374 = arith.index_cast %add3A_361 : i32 to index
        %get3A_375 = arith.constant 16 : index
        %get3A_376 = tpu.vector_load %arg7[%get3A_374, %get3A_375] {strides = array<i32>} : memref<256x64xf32, #tpu.memory_space<vmem>>, vector<1x16xf32>,
        %get3A_377 = vector.shape_cast %get3A_376 : vector<1x16xf32> to vector<16xf32>
        %mul3A_378 = arith.constant 8.000000e+00 : f32
        %mul3A_379 = vector.broadcast %mul3A_378 : f32 to vector<16xf32>
        %mul3A_380 = arith.mulf %get3A_377, %mul3A_379 : vector<16xf32>
        %swap3A_381 = arith.index_cast %add3A_361 : i32 to index
        %swap3A_382 = arith.constant 16 : index
        %swap3A_383 = tpu.vector_load %arg7[%swap3A_381, %swap3A_382] {strides = array<i32>} : memref<256x64xf32, #tpu.memory_space<vmem>>, vector<1x16xf32>,
        %swap3A_384 = vector.shape_cast %swap3A_383 : vector<1x16xf32> to vector<16xf32>
        %swap3A_385 = vector.shape_cast %mul3A_380 : vector<16xf32> to vector<1x16xf32>
        tpu.vector_store %arg7[%swap3A_381, %swap3A_382], %swap3A_385 {strides = array<i32>} : memref<256x64xf32, #tpu.memory_space<vmem>>, vector<1x16xf32>,
        %get3A_386 = arith.index_cast %add3A_361 : i32 to index
        %get3A_387 = arith.constant 32 : index
        %get3A_388 = tpu.vector_load %arg7[%get3A_386, %get3A_387] {strides = array<i32>} : memref<256x64xf32, #tpu.memory_space<vmem>>, vector<1x16xf32>,
        %get3A_389 = vector.shape_cast %get3A_388 : vector<1x16xf32> to vector<16xf32>
        %mul3A_390 = arith.constant 8.000000e+00 : f32
        %mul3A_391 = vector.broadcast %mul3A_390 : f32 to vector<16xf32>
        %mul3A_392 = arith.mulf %get3A_389, %mul3A_391 : vector<16xf32>
        %swap3A_393 = arith.index_cast %add3A_361 : i32 to index
        %swap3A_394 = arith.constant 32 : index
        %swap3A_395 = tpu.vector_load %arg7[%swap3A_393, %swap3A_394] {strides = array<i32>} : memref<256x64xf32, #tpu.memory_space<vmem>>, vector<1x16xf32>,
        %swap3A_396 = vector.shape_cast %swap3A_395 : vector<1x16xf32> to vector<16xf32>
        %swap3A_397 = vector.shape_cast %mul3A_392 : vector<16xf32> to vector<1x16xf32>
        tpu.vector_store %arg7[%swap3A_393, %swap3A_394], %swap3A_397 {strides = array<i32>} : memref<256x64xf32, #tpu.memory_space<vmem>>, vector<1x16xf32>,
        %get3A_398 = arith.index_cast %add3A_361 : i32 to index
        %get3A_399 = arith.constant 48 : index
        %get3A_400 = tpu.vector_load %arg7[%get3A_398, %get3A_399] {strides = array<i32>} : memref<256x64xf32, #tpu.memory_space<vmem>>, vector<1x16xf32>,
        %get3A_401 = vector.shape_cast %get3A_400 : vector<1x16xf32> to vector<16xf32>
        %mul3A_402 = arith.constant 8.000000e+00 : f32
        %mul3A_403 = vector.broadcast %mul3A_402 : f32 to vector<16xf32>
        %mul3A_404 = arith.mulf %get3A_401, %mul3A_403 : vector<16xf32>
        %swap3A_405 = arith.index_cast %add3A_361 : i32 to index
        %swap3A_406 = arith.constant 48 : index
        %swap3A_407 = tpu.vector_load %arg7[%swap3A_405, %swap3A_406] {strides = array<i32>} : memref<256x64xf32, #tpu.memory_space<vmem>>, vector<1x16xf32>,
        %swap3A_408 = vector.shape_cast %swap3A_407 : vector<1x16xf32> to vector<16xf32>
        %swap3A_409 = vector.shape_cast %mul3A_404 : vector<16xf32> to vector<1x16xf32>
        tpu.vector_store %arg7[%swap3A_405, %swap3A_406], %swap3A_409 {strides = array<i32>} : memref<256x64xf32, #tpu.memory_space<vmem>>, vector<1x16xf32>,
        %scan3A_410 = arith.constant 3 : i32
        %scan3A_411 = arith.addi %scan3A_251, %scan3A_410 : i32
        %mul3A_412 = arith.constant 1 : i32
        %mul3A_413 = arith.muli %scan3A_411, %mul3A_412 : i32
        %add3A_414 = arith.constant 0 : i32
        %add3A_415 = arith.addi %add3A_414, %mul3A_413 : i32
        %get3A_416 = arith.index_cast %add3A_415 : i32 to index
        %get3A_417 = arith.constant 0 : index
        %get3A_418 = tpu.vector_load %arg7[%get3A_416, %get3A_417] {strides = array<i32>} : memref<256x64xf32, #tpu.memory_space<vmem>>, vector<1x16xf32>,
        %get3A_419 = vector.shape_cast %get3A_418 : vector<1x16xf32> to vector<16xf32>
        %mul3A_420 = arith.constant 8.000000e+00 : f32
        %mul3A_421 = vector.broadcast %mul3A_420 : f32 to vector<16xf32>
        %mul3A_422 = arith.mulf %get3A_419, %mul3A_421 : vector<16xf32>
        %swap3A_423 = arith.index_cast %add3A_415 : i32 to index
        %swap3A_424 = arith.constant 0 : index
        %swap3A_425 = tpu.vector_load %arg7[%swap3A_423, %swap3A_424] {strides = array<i32>} : memref<256x64xf32, #tpu.memory_space<vmem>>, vector<1x16xf32>,
        %swap3A_426 = vector.shape_cast %swap3A_425 : vector<1x16xf32> to vector<16xf32>
        %swap3A_427 = vector.shape_cast %mul3A_422 : vector<16xf32> to vector<1x16xf32>
        tpu.vector_store %arg7[%swap3A_423, %swap3A_424], %swap3A_427 {strides = array<i32>} : memref<256x64xf32, #tpu.memory_space<vmem>>, vector<1x16xf32>,
        %get3A_428 = arith.index_cast %add3A_415 : i32 to index
        %get3A_429 = arith.constant 16 : index
        %get3A_430 = tpu.vector_load %arg7[%get3A_428, %get3A_429] {strides = array<i32>} : memref<256x64xf32, #tpu.memory_space<vmem>>, vector<1x16xf32>,
        %get3A_431 = vector.shape_cast %get3A_430 : vector<1x16xf32> to vector<16xf32>
        %mul3A_432 = arith.constant 8.000000e+00 : f32
        %mul3A_433 = vector.broadcast %mul3A_432 : f32 to vector<16xf32>
        %mul3A_434 = arith.mulf %get3A_431, %mul3A_433 : vector<16xf32>
        %swap3A_435 = arith.index_cast %add3A_415 : i32 to index
        %swap3A_436 = arith.constant 16 : index
        %swap3A_437 = tpu.vector_load %arg7[%swap3A_435, %swap3A_436] {strides = array<i32>} : memref<256x64xf32, #tpu.memory_space<vmem>>, vector<1x16xf32>,
        %swap3A_438 = vector.shape_cast %swap3A_437 : vector<1x16xf32> to vector<16xf32>
        %swap3A_439 = vector.shape_cast %mul3A_434 : vector<16xf32> to vector<1x16xf32>
        tpu.vector_store %arg7[%swap3A_435, %swap3A_436], %swap3A_439 {strides = array<i32>} : memref<256x64xf32, #tpu.memory_space<vmem>>, vector<1x16xf32>,
        %get3A_440 = arith.index_cast %add3A_415 : i32 to index
        %get3A_441 = arith.constant 32 : index
        %get3A_442 = tpu.vector_load %arg7[%get3A_440, %get3A_441] {strides = array<i32>} : memref<256x64xf32, #tpu.memory_space<vmem>>, vector<1x16xf32>,
        %get3A_443 = vector.shape_cast %get3A_442 : vector<1x16xf32> to vector<16xf32>
        %mul3A_444 = arith.constant 8.000000e+00 : f32
        %mul3A_445 = vector.broadcast %mul3A_444 : f32 to vector<16xf32>
        %mul3A_446 = arith.mulf %get3A_443, %mul3A_445 : vector<16xf32>
        %swap3A_447 = arith.index_cast %add3A_415 : i32 to index
        %swap3A_448 = arith.constant 32 : index
        %swap3A_449 = tpu.vector_load %arg7[%swap3A_447, %swap3A_448] {strides = array<i32>} : memref<256x64xf32, #tpu.memory_space<vmem>>, vector<1x16xf32>,
        %swap3A_450 = vector.shape_cast %swap3A_449 : vector<1x16xf32> to vector<16xf32>
        %swap3A_451 = vector.shape_cast %mul3A_446 : vector<16xf32> to vector<1x16xf32>
        tpu.vector_store %arg7[%swap3A_447, %swap3A_448], %swap3A_451 {strides = array<i32>} : memref<256x64xf32, #tpu.memory_space<vmem>>, vector<1x16xf32>,
        %get3A_452 = arith.index_cast %add3A_415 : i32 to index
        %get3A_453 = arith.constant 48 : index
        %get3A_454 = tpu.vector_load %arg7[%get3A_452, %get3A_453] {strides = array<i32>} : memref<256x64xf32, #tpu.memory_space<vmem>>, vector<1x16xf32>,
        %get3A_455 = vector.shape_cast %get3A_454 : vector<1x16xf32> to vector<16xf32>
        %mul3A_456 = arith.constant 8.000000e+00 : f32
        %mul3A_457 = vector.broadcast %mul3A_456 : f32 to vector<16xf32>
        %mul3A_458 = arith.mulf %get3A_455, %mul3A_457 : vector<16xf32>
        %swap3A_459 = arith.index_cast %add3A_415 : i32 to index
        %swap3A_460 = arith.constant 48 : index
        %swap3A_461 = tpu.vector_load %arg7[%swap3A_459, %swap3A_460] {strides = array<i32>} : memref<256x64xf32, #tpu.memory_space<vmem>>, vector<1x16xf32>,
        %swap3A_462 = vector.shape_cast %swap3A_461 : vector<1x16xf32> to vector<16xf32>
        %swap3A_463 = vector.shape_cast %mul3A_458 : vector<16xf32> to vector<1x16xf32>
        tpu.vector_store %arg7[%swap3A_459, %swap3A_460], %swap3A_463 {strides = array<i32>} : memref<256x64xf32, #tpu.memory_space<vmem>>, vector<1x16xf32>,
      }
      %scan3A_142 = arith.constant 256 : i32
      %mul3A_143 = arith.constant 256 : i32
      %mul3A_144 = arith.muli %add3A_111, %mul3A_143 : i32
      %add3A_145 = arith.addi %mul3A_2, %mul3A_144 : i32
      %dma_start3A_146 = arith.constant 0 : i32
      %dma_start3A_147 = tpu.memref_slice %arg4[%add3A_145, %dma_start3A_146] : memref<819200x64xf32, #tpu.memory_space<hbm>> -> memref<256x64xf32, #tpu.memory_space<hbm>>
      %dma_start3A_148 = arith.constant 0 : i32
      %dma_start3A_149 = tpu.memref_slice %arg4[%add3A_145, %dma_start3A_148] : memref<819200x64xf32, #tpu.memory_space<hbm>> -> memref<256x64xf32, #tpu.memory_space<hbm>>
      tpu.enqueue_dma source(%arg7 : memref<256x64xf32, #tpu.memory_space<vmem>>) target(%dma_start3A_149 : memref<256x64xf32, #tpu.memory_space<hbm>>) target_semaphore(%arg15 : memref<!tpu.dma_semaphore, #tpu.memory_space<semaphore_mem>>)
      %add3A_150 = arith.constant 2 : i32
      %add3A_151 = arith.addi %add3A_111, %add3A_150 : i32
      %lt3A_152 = arith.constant 100 : i32
      %lt3A_153 = arith.cmpi slt, %add3A_151, %lt3A_152 : i32
      %convert_element_type3A_154 = arith.extui %lt3A_153 : i1 to i32
      %cond3A_155 = arith.constant 0 : i32
      %cond3A_156 = arith.cmpi ne, %convert_element_type3A_154, %cond3A_155 : i32
      scf.if %cond3A_156 {
        %add3A_251 = arith.constant 2 : i32
        %add3A_252 = arith.addi %add3A_111, %add3A_251 : i32
        %ge3A = arith.constant 4 : i32
        %ge3A_253 = arith.cmpi sge, %add3A_252, %ge3A : i32
        %convert_element_type3A_254 = arith.extui %ge3A_253 : i1 to i32
        %cond3A_255 = arith.constant 0 : i32
        %cond3A_256 = arith.cmpi ne, %convert_element_type3A_254, %cond3A_255 : i32
        scf.if %cond3A_256 {
          %dma_wait3A_285 = arith.constant 0 : i32
          %dma_wait3A_286 = tpu.memref_slice %arg4[%mul3A_2, %dma_wait3A_285] : memref<819200x64xf32, #tpu.memory_space<hbm>> -> memref<256x64xf32, #tpu.memory_space<hbm>>
          %dma_wait3A_287 = arith.constant 0 : i32
          %dma_wait3A_288 = tpu.memref_slice %arg4[%mul3A_2, %dma_wait3A_287] : memref<819200x64xf32, #tpu.memory_space<hbm>> -> memref<256x64xf32, #tpu.memory_space<hbm>>
          tpu.wait_dma2 semaphore(%arg17 : memref<!tpu.dma_semaphore, #tpu.memory_space<semaphore_mem>>) src(%arg9 : memref<256x64xf32, #tpu.memory_space<vmem>>) dst(%dma_wait3A_288 : memref<256x64xf32, #tpu.memory_space<hbm>>)
        } else {
        }
        %add3A_257 = arith.constant 2 : i32
        %add3A_258 = arith.addi %add3A_111, %add3A_257 : i32
        %mul3A_259 = arith.constant 2 : i32
        %mul3A_260 = arith.muli %add3A_258, %mul3A_259 : i32
        %add3A_261 = arith.constant 0 : i32
        %add3A_262 = arith.addi %mul3A_260, %add3A_261 : i32
        %dma_start3A_263 = arith.constant 0 : i32
        %dma_start3A_264 = arith.constant 0 : i32
        %dma_start3A_265 = tpu.memref_slice %arg9[%dma_start3A_263, %dma_start3A_264] : memref<256x64xf32, #tpu.memory_space<vmem>> -> memref<128x64xf32, #tpu.memory_space<vmem>>
        %dma_start3A_266 = arith.constant 0 : i32
        %dma_start3A_267 = tpu.memref_slice %arg5[%add3A_262, %dma_start3A_266] : memref<200x128xi32, #tpu.memory_space<vmem>> -> memref<1x128xi32, #tpu.memory_space<vmem>>
        %dma_start3A_268 = tpu.memref_squeeze %dma_start3A_267 : memref<1x128xi32, #tpu.memory_space<vmem>> -> memref<128xi32, #tpu.memory_space<vmem>>
        %dma_start3A_269 = arith.constant 0 : i32
        %dma_start3A_270 = arith.constant 0 : i32
        %dma_start3A_271 = tpu.memref_slice %arg3[%dma_start3A_269, %dma_start3A_270] : memref<1000000x64xf32, #tpu.memory_space<hbm>> -> memref<1000000x64xf32, #tpu.memory_space<hbm>>
        tpu.enqueue_indirect_dma source(%dma_start3A_271 : memref<1000000x64xf32, #tpu.memory_space<hbm>>) target(%dma_start3A_265 : memref<128x64xf32, #tpu.memory_space<vmem>>) offsets(%dma_start3A_268 : memref<128xi32, #tpu.memory_space<vmem>>) semaphore(%arg13 : memref<!tpu.dma_semaphore, #tpu.memory_space<semaphore_mem>>)
        %mul3A_272 = arith.constant 2 : i32
        %mul3A_273 = arith.muli %add3A_258, %mul3A_272 : i32
        %add3A_274 = arith.constant 1 : i32
        %add3A_275 = arith.addi %mul3A_273, %add3A_274 : i32
        %dma_start3A_276 = arith.constant 128 : i32
        %dma_start3A_277 = arith.constant 0 : i32
        %dma_start3A_278 = tpu.memref_slice %arg9[%dma_start3A_276, %dma_start3A_277] : memref<256x64xf32, #tpu.memory_space<vmem>> -> memref<128x64xf32, #tpu.memory_space<vmem>>
        %dma_start3A_279 = arith.constant 0 : i32
        %dma_start3A_280 = tpu.memref_slice %arg5[%add3A_275, %dma_start3A_279] : memref<200x128xi32, #tpu.memory_space<vmem>> -> memref<1x128xi32, #tpu.memory_space<vmem>>
        %dma_start3A_281 = tpu.memref_squeeze %dma_start3A_280 : memref<1x128xi32, #tpu.memory_space<vmem>> -> memref<128xi32, #tpu.memory_space<vmem>>
        %dma_start3A_282 = arith.constant 0 : i32
        %dma_start3A_283 = arith.constant 0 : i32
        %dma_start3A_284 = tpu.memref_slice %arg3[%dma_start3A_282, %dma_start3A_283] : memref<1000000x64xf32, #tpu.memory_space<hbm>> -> memref<1000000x64xf32, #tpu.memory_space<hbm>>
        tpu.enqueue_indirect_dma source(%dma_start3A_284 : memref<1000000x64xf32, #tpu.memory_space<hbm>>) target(%dma_start3A_278 : memref<128x64xf32, #tpu.memory_space<vmem>>) offsets(%dma_start3A_281 : memref<128xi32, #tpu.memory_space<vmem>>) semaphore(%arg13 : memref<!tpu.dma_semaphore, #tpu.memory_space<semaphore_mem>>)
      } else {
      }
      %add3A_157 = arith.constant 2 : i32
      %add3A_158 = arith.addi %add3A_65, %add3A_157 : i32
      %mul3A_159 = arith.constant 2 : i32
      %mul3A_160 = arith.muli %add3A_158, %mul3A_159 : i32
      %add3A_161 = arith.constant 0 : i32
      %add3A_162 = arith.addi %mul3A_160, %add3A_161 : i32
      %dma_wait3A_163 = arith.constant 0 : i32
      %dma_wait3A_164 = arith.constant 0 : i32
      %dma_wait3A_165 = tpu.memref_slice %arg8[%dma_wait3A_163, %dma_wait3A_164] : memref<256x64xf32, #tpu.memory_space<vmem>> -> memref<128x64xf32, #tpu.memory_space<vmem>>
      %dma_wait3A_166 = arith.constant 0 : i32
      %dma_wait3A_167 = tpu.memref_slice %arg5[%add3A_162, %dma_wait3A_166] : memref<200x128xi32, #tpu.memory_space<vmem>> -> memref<1x128xi32, #tpu.memory_space<vmem>>
      %dma_wait3A_168 = tpu.memref_squeeze %dma_wait3A_167 : memref<1x128xi32, #tpu.memory_space<vmem>> -> memref<128xi32, #tpu.memory_space<vmem>>
      %dma_wait3A_169 = arith.constant 0 : i32
      %dma_wait3A_170 = arith.constant 0 : i32
      %dma_wait3A_171 = tpu.memref_slice %arg3[%dma_wait3A_169, %dma_wait3A_170] : memref<1000000x64xf32, #tpu.memory_space<hbm>> -> memref<1000000x64xf32, #tpu.memory_space<hbm>>
      tpu.wait_indirect_dma semaphore(%arg12 : memref<!tpu.dma_semaphore, #tpu.memory_space<semaphore_mem>>) src(%dma_wait3A_171 : memref<1000000x64xf32, #tpu.memory_space<hbm>>) dst(%dma_wait3A_165 : memref<128x64xf32, #tpu.memory_space<vmem>>)
      %mul3A_172 = arith.constant 2 : i32
      %mul3A_173 = arith.muli %add3A_158, %mul3A_172 : i32
      %add3A_174 = arith.constant 1 : i32
      %add3A_175 = arith.addi %mul3A_173, %add3A_174 : i32
      %dma_wait3A_176 = arith.constant 128 : i32
      %dma_wait3A_177 = arith.constant 0 : i32
      %dma_wait3A_178 = tpu.memref_slice %arg8[%dma_wait3A_176, %dma_wait3A_177] : memref<256x64xf32, #tpu.memory_space<vmem>> -> memref<128x64xf32, #tpu.memory_space<vmem>>
      %dma_wait3A_179 = arith.constant 0 : i32
      %dma_wait3A_180 = tpu.memref_slice %arg5[%add3A_175, %dma_wait3A_179] : memref<200x128xi32, #tpu.memory_space<vmem>> -> memref<1x128xi32, #tpu.memory_space<vmem>>
      %dma_wait3A_181 = tpu.memref_squeeze %dma_wait3A_180 : memref<1x128xi32, #tpu.memory_space<vmem>> -> memref<128xi32, #tpu.memory_space<vmem>>
      %dma_wait3A_182 = arith.constant 0 : i32
      %dma_wait3A_183 = arith.constant 0 : i32
      %dma_wait3A_184 = tpu.memref_slice %arg3[%dma_wait3A_182, %dma_wait3A_183] : memref<1000000x64xf32, #tpu.memory_space<hbm>> -> memref<1000000x64xf32, #tpu.memory_space<hbm>>
      tpu.wait_indirect_dma semaphore(%arg12 : memref<!tpu.dma_semaphore, #tpu.memory_space<semaphore_mem>>) src(%dma_wait3A_184 : memref<1000000x64xf32, #tpu.memory_space<hbm>>) dst(%dma_wait3A_178 : memref<128x64xf32, #tpu.memory_space<vmem>>)
      %scan3A_185 = arith.constant 0 : i32
      %scan3A_186 = arith.constant 256 : i32
      %scan3A_187 = arith.addi %scan3A_185, %scan3A_186 : i32
      %scan3A_188 = arith.constant 4 : i32
      scf.for %scan3A_251 = %scan3A_185 to %scan3A_187 step %scan3A_188  : i32 {
        %mul3A_252 = arith.constant 1 : i32
        %mul3A_253 = arith.muli %scan3A_251, %mul3A_252 : i32
        %add3A_254 = arith.constant 0 : i32
        %add3A_255 = arith.addi %add3A_254, %mul3A_253 : i32
        %get3A = arith.index_cast %add3A_255 : i32 to index
        %get3A_256 = arith.constant 0 : index
        %get3A_257 = tpu.vector_load %arg8[%get3A, %get3A_256] {strides = array<i32>} : memref<256x64xf32, #tpu.memory_space<vmem>>, vector<1x16xf32>,
        %get3A_258 = vector.shape_cast %get3A_257 : vector<1x16xf32> to vector<16xf32>
        %mul3A_259 = arith.constant 8.000000e+00 : f32
        %mul3A_260 = vector.broadcast %mul3A_259 : f32 to vector<16xf32>
        %mul3A_261 = arith.mulf %get3A_258, %mul3A_260 : vector<16xf32>
        %swap3A = arith.index_cast %add3A_255 : i32 to index
        %swap3A_262 = arith.constant 0 : index
        %swap3A_263 = tpu.vector_load %arg8[%swap3A, %swap3A_262] {strides = array<i32>} : memref<256x64xf32, #tpu.memory_space<vmem>>, vector<1x16xf32>,
        %swap3A_264 = vector.shape_cast %swap3A_263 : vector<1x16xf32> to vector<16xf32>
        %swap3A_265 = vector.shape_cast %mul3A_261 : vector<16xf32> to vector<1x16xf32>
        tpu.vector_store %arg8[%swap3A, %swap3A_262], %swap3A_265 {strides = array<i32>} : memref<256x64xf32, #tpu.memory_space<vmem>>, vector<1x16xf32>,
        %get3A_266 = arith.index_cast %add3A_255 : i32 to index
        %get3A_267 = arith.constant 16 : index
        %get3A_268 = tpu.vector_load %arg8[%get3A_266, %get3A_267] {strides = array<i32>} : memref<256x64xf32, #tpu.memory_space<vmem>>, vector<1x16xf32>,
        %get3A_269 = vector.shape_cast %get3A_268 : vector<1x16xf32> to vector<16xf32>
        %mul3A_270 = arith.constant 8.000000e+00 : f32
        %mul3A_271 = vector.broadcast %mul3A_270 : f32 to vector<16xf32>
        %mul3A_272 = arith.mulf %get3A_269, %mul3A_271 : vector<16xf32>
        %swap3A_273 = arith.index_cast %add3A_255 : i32 to index
        %swap3A_274 = arith.constant 16 : index
        %swap3A_275 = tpu.vector_load %arg8[%swap3A_273, %swap3A_274] {strides = array<i32>} : memref<256x64xf32, #tpu.memory_space<vmem>>, vector<1x16xf32>,
        %swap3A_276 = vector.shape_cast %swap3A_275 : vector<1x16xf32> to vector<16xf32>
        %swap3A_277 = vector.shape_cast %mul3A_272 : vector<16xf32> to vector<1x16xf32>
        tpu.vector_store %arg8[%swap3A_273, %swap3A_274], %swap3A_277 {strides = array<i32>} : memref<256x64xf32, #tpu.memory_space<vmem>>, vector<1x16xf32>,
        %get3A_278 = arith.index_cast %add3A_255 : i32 to index
        %get3A_279 = arith.constant 32 : index
        %get3A_280 = tpu.vector_load %arg8[%get3A_278, %get3A_279] {strides = array<i32>} : memref<256x64xf32, #tpu.memory_space<vmem>>, vector<1x16xf32>,
        %get3A_281 = vector.shape_cast %get3A_280 : vector<1x16xf32> to vector<16xf32>
        %mul3A_282 = arith.constant 8.000000e+00 : f32
        %mul3A_283 = vector.broadcast %mul3A_282 : f32 to vector<16xf32>
        %mul3A_284 = arith.mulf %get3A_281, %mul3A_283 : vector<16xf32>
        %swap3A_285 = arith.index_cast %add3A_255 : i32 to index
        %swap3A_286 = arith.constant 32 : index
        %swap3A_287 = tpu.vector_load %arg8[%swap3A_285, %swap3A_286] {strides = array<i32>} : memref<256x64xf32, #tpu.memory_space<vmem>>, vector<1x16xf32>,
        %swap3A_288 = vector.shape_cast %swap3A_287 : vector<1x16xf32> to vector<16xf32>
        %swap3A_289 = vector.shape_cast %mul3A_284 : vector<16xf32> to vector<1x16xf32>
        tpu.vector_store %arg8[%swap3A_285, %swap3A_286], %swap3A_289 {strides = array<i32>} : memref<256x64xf32, #tpu.memory_space<vmem>>, vector<1x16xf32>,
        %get3A_290 = arith.index_cast %add3A_255 : i32 to index
        %get3A_291 = arith.constant 48 : index
        %get3A_292 = tpu.vector_load %arg8[%get3A_290, %get3A_291] {strides = array<i32>} : memref<256x64xf32, #tpu.memory_space<vmem>>, vector<1x16xf32>,
        %get3A_293 = vector.shape_cast %get3A_292 : vector<1x16xf32> to vector<16xf32>
        %mul3A_294 = arith.constant 8.000000e+00 : f32
        %mul3A_295 = vector.broadcast %mul3A_294 : f32 to vector<16xf32>
        %mul3A_296 = arith.mulf %get3A_293, %mul3A_295 : vector<16xf32>
        %swap3A_297 = arith.index_cast %add3A_255 : i32 to index
        %swap3A_298 = arith.constant 48 : index
        %swap3A_299 = tpu.vector_load %arg8[%swap3A_297, %swap3A_298] {strides = array<i32>} : memref<256x64xf32, #tpu.memory_space<vmem>>, vector<1x16xf32>,
        %swap3A_300 = vector.shape_cast %swap3A_299 : vector<1x16xf32> to vector<16xf32>
        %swap3A_301 = vector.shape_cast %mul3A_296 : vector<16xf32> to vector<1x16xf32>
        tpu.vector_store %arg8[%swap3A_297, %swap3A_298], %swap3A_301 {strides = array<i32>} : memref<256x64xf32, #tpu.memory_space<vmem>>, vector<1x16xf32>,
        %scan3A_302 = arith.constant 1 : i32
        %scan3A_303 = arith.addi %scan3A_251, %scan3A_302 : i32
        %mul3A_304 = arith.constant 1 : i32
        %mul3A_305 = arith.muli %scan3A_303, %mul3A_304 : i32
        %add3A_306 = arith.constant 0 : i32
        %add3A_307 = arith.addi %add3A_306, %mul3A_305 : i32
        %get3A_308 = arith.index_cast %add3A_307 : i32 to index
        %get3A_309 = arith.constant 0 : index
        %get3A_310 = tpu.vector_load %arg8[%get3A_308, %get3A_309] {strides = array<i32>} : memref<256x64xf32, #tpu.memory_space<vmem>>, vector<1x16xf32>,
        %get3A_311 = vector.shape_cast %get3A_310 : vector<1x16xf32> to vector<16xf32>
        %mul3A_312 = arith.constant 8.000000e+00 : f32
        %mul3A_313 = vector.broadcast %mul3A_312 : f32 to vector<16xf32>
        %mul3A_314 = arith.mulf %get3A_311, %mul3A_313 : vector<16xf32>
        %swap3A_315 = arith.index_cast %add3A_307 : i32 to index
        %swap3A_316 = arith.constant 0 : index
        %swap3A_317 = tpu.vector_load %arg8[%swap3A_315, %swap3A_316] {strides = array<i32>} : memref<256x64xf32, #tpu.memory_space<vmem>>, vector<1x16xf32>,
        %swap3A_318 = vector.shape_cast %swap3A_317 : vector<1x16xf32> to vector<16xf32>
        %swap3A_319 = vector.shape_cast %mul3A_314 : vector<16xf32> to vector<1x16xf32>
        tpu.vector_store %arg8[%swap3A_315, %swap3A_316], %swap3A_319 {strides = array<i32>} : memref<256x64xf32, #tpu.memory_space<vmem>>, vector<1x16xf32>,
        %get3A_320 = arith.index_cast %add3A_307 : i32 to index
        %get3A_321 = arith.constant 16 : index
        %get3A_322 = tpu.vector_load %arg8[%get3A_320, %get3A_321] {strides = array<i32>} : memref<256x64xf32, #tpu.memory_space<vmem>>, vector<1x16xf32>,
        %get3A_323 = vector.shape_cast %get3A_322 : vector<1x16xf32> to vector<16xf32>
        %mul3A_324 = arith.constant 8.000000e+00 : f32
        %mul3A_325 = vector.broadcast %mul3A_324 : f32 to vector<16xf32>
        %mul3A_326 = arith.mulf %get3A_323, %mul3A_325 : vector<16xf32>
        %swap3A_327 = arith.index_cast %add3A_307 : i32 to index
        %swap3A_328 = arith.constant 16 : index
        %swap3A_329 = tpu.vector_load %arg8[%swap3A_327, %swap3A_328] {strides = array<i32>} : memref<256x64xf32, #tpu.memory_space<vmem>>, vector<1x16xf32>,
        %swap3A_330 = vector.shape_cast %swap3A_329 : vector<1x16xf32> to vector<16xf32>
        %swap3A_331 = vector.shape_cast %mul3A_326 : vector<16xf32> to vector<1x16xf32>
        tpu.vector_store %arg8[%swap3A_327, %swap3A_328], %swap3A_331 {strides = array<i32>} : memref<256x64xf32, #tpu.memory_space<vmem>>, vector<1x16xf32>,
        %get3A_332 = arith.index_cast %add3A_307 : i32 to index
        %get3A_333 = arith.constant 32 : index
        %get3A_334 = tpu.vector_load %arg8[%get3A_332, %get3A_333] {strides = array<i32>} : memref<256x64xf32, #tpu.memory_space<vmem>>, vector<1x16xf32>,
        %get3A_335 = vector.shape_cast %get3A_334 : vector<1x16xf32> to vector<16xf32>
        %mul3A_336 = arith.constant 8.000000e+00 : f32
        %mul3A_337 = vector.broadcast %mul3A_336 : f32 to vector<16xf32>
        %mul3A_338 = arith.mulf %get3A_335, %mul3A_337 : vector<16xf32>
        %swap3A_339 = arith.index_cast %add3A_307 : i32 to index
        %swap3A_340 = arith.constant 32 : index
        %swap3A_341 = tpu.vector_load %arg8[%swap3A_339, %swap3A_340] {strides = array<i32>} : memref<256x64xf32, #tpu.memory_space<vmem>>, vector<1x16xf32>,
        %swap3A_342 = vector.shape_cast %swap3A_341 : vector<1x16xf32> to vector<16xf32>
        %swap3A_343 = vector.shape_cast %mul3A_338 : vector<16xf32> to vector<1x16xf32>
        tpu.vector_store %arg8[%swap3A_339, %swap3A_340], %swap3A_343 {strides = array<i32>} : memref<256x64xf32, #tpu.memory_space<vmem>>, vector<1x16xf32>,
        %get3A_344 = arith.index_cast %add3A_307 : i32 to index
        %get3A_345 = arith.constant 48 : index
        %get3A_346 = tpu.vector_load %arg8[%get3A_344, %get3A_345] {strides = array<i32>} : memref<256x64xf32, #tpu.memory_space<vmem>>, vector<1x16xf32>,
        %get3A_347 = vector.shape_cast %get3A_346 : vector<1x16xf32> to vector<16xf32>
        %mul3A_348 = arith.constant 8.000000e+00 : f32
        %mul3A_349 = vector.broadcast %mul3A_348 : f32 to vector<16xf32>
        %mul3A_350 = arith.mulf %get3A_347, %mul3A_349 : vector<16xf32>
        %swap3A_351 = arith.index_cast %add3A_307 : i32 to index
        %swap3A_352 = arith.constant 48 : index
        %swap3A_353 = tpu.vector_load %arg8[%swap3A_351, %swap3A_352] {strides = array<i32>} : memref<256x64xf32, #tpu.memory_space<vmem>>, vector<1x16xf32>,
        %swap3A_354 = vector.shape_cast %swap3A_353 : vector<1x16xf32> to vector<16xf32>
        %swap3A_355 = vector.shape_cast %mul3A_350 : vector<16xf32> to vector<1x16xf32>
        tpu.vector_store %arg8[%swap3A_351, %swap3A_352], %swap3A_355 {strides = array<i32>} : memref<256x64xf32, #tpu.memory_space<vmem>>, vector<1x16xf32>,
        %scan3A_356 = arith.constant 2 : i32
        %scan3A_357 = arith.addi %scan3A_251, %scan3A_356 : i32
        %mul3A_358 = arith.constant 1 : i32
        %mul3A_359 = arith.muli %scan3A_357, %mul3A_358 : i32
        %add3A_360 = arith.constant 0 : i32
        %add3A_361 = arith.addi %add3A_360, %mul3A_359 : i32
        %get3A_362 = arith.index_cast %add3A_361 : i32 to index
        %get3A_363 = arith.constant 0 : index
        %get3A_364 = tpu.vector_load %arg8[%get3A_362, %get3A_363] {strides = array<i32>} : memref<256x64xf32, #tpu.memory_space<vmem>>, vector<1x16xf32>,
        %get3A_365 = vector.shape_cast %get3A_364 : vector<1x16xf32> to vector<16xf32>
        %mul3A_366 = arith.constant 8.000000e+00 : f32
        %mul3A_367 = vector.broadcast %mul3A_366 : f32 to vector<16xf32>
        %mul3A_368 = arith.mulf %get3A_365, %mul3A_367 : vector<16xf32>
        %swap3A_369 = arith.index_cast %add3A_361 : i32 to index
        %swap3A_370 = arith.constant 0 : index
        %swap3A_371 = tpu.vector_load %arg8[%swap3A_369, %swap3A_370] {strides = array<i32>} : memref<256x64xf32, #tpu.memory_space<vmem>>, vector<1x16xf32>,
        %swap3A_372 = vector.shape_cast %swap3A_371 : vector<1x16xf32> to vector<16xf32>
        %swap3A_373 = vector.shape_cast %mul3A_368 : vector<16xf32> to vector<1x16xf32>
        tpu.vector_store %arg8[%swap3A_369, %swap3A_370], %swap3A_373 {strides = array<i32>} : memref<256x64xf32, #tpu.memory_space<vmem>>, vector<1x16xf32>,
        %get3A_374 = arith.index_cast %add3A_361 : i32 to index
        %get3A_375 = arith.constant 16 : index
        %get3A_376 = tpu.vector_load %arg8[%get3A_374, %get3A_375] {strides = array<i32>} : memref<256x64xf32, #tpu.memory_space<vmem>>, vector<1x16xf32>,
        %get3A_377 = vector.shape_cast %get3A_376 : vector<1x16xf32> to vector<16xf32>
        %mul3A_378 = arith.constant 8.000000e+00 : f32
        %mul3A_379 = vector.broadcast %mul3A_378 : f32 to vector<16xf32>
        %mul3A_380 = arith.mulf %get3A_377, %mul3A_379 : vector<16xf32>
        %swap3A_381 = arith.index_cast %add3A_361 : i32 to index
        %swap3A_382 = arith.constant 16 : index
        %swap3A_383 = tpu.vector_load %arg8[%swap3A_381, %swap3A_382] {strides = array<i32>} : memref<256x64xf32, #tpu.memory_space<vmem>>, vector<1x16xf32>,
        %swap3A_384 = vector.shape_cast %swap3A_383 : vector<1x16xf32> to vector<16xf32>
        %swap3A_385 = vector.shape_cast %mul3A_380 : vector<16xf32> to vector<1x16xf32>
        tpu.vector_store %arg8[%swap3A_381, %swap3A_382], %swap3A_385 {strides = array<i32>} : memref<256x64xf32, #tpu.memory_space<vmem>>, vector<1x16xf32>,
        %get3A_386 = arith.index_cast %add3A_361 : i32 to index
        %get3A_387 = arith.constant 32 : index
        %get3A_388 = tpu.vector_load %arg8[%get3A_386, %get3A_387] {strides = array<i32>} : memref<256x64xf32, #tpu.memory_space<vmem>>, vector<1x16xf32>,
        %get3A_389 = vector.shape_cast %get3A_388 : vector<1x16xf32> to vector<16xf32>
        %mul3A_390 = arith.constant 8.000000e+00 : f32
        %mul3A_391 = vector.broadcast %mul3A_390 : f32 to vector<16xf32>
        %mul3A_392 = arith.mulf %get3A_389, %mul3A_391 : vector<16xf32>
        %swap3A_393 = arith.index_cast %add3A_361 : i32 to index
        %swap3A_394 = arith.constant 32 : index
        %swap3A_395 = tpu.vector_load %arg8[%swap3A_393, %swap3A_394] {strides = array<i32>} : memref<256x64xf32, #tpu.memory_space<vmem>>, vector<1x16xf32>,
        %swap3A_396 = vector.shape_cast %swap3A_395 : vector<1x16xf32> to vector<16xf32>
        %swap3A_397 = vector.shape_cast %mul3A_392 : vector<16xf32> to vector<1x16xf32>
        tpu.vector_store %arg8[%swap3A_393, %swap3A_394], %swap3A_397 {strides = array<i32>} : memref<256x64xf32, #tpu.memory_space<vmem>>, vector<1x16xf32>,
        %get3A_398 = arith.index_cast %add3A_361 : i32 to index
        %get3A_399 = arith.constant 48 : index
        %get3A_400 = tpu.vector_load %arg8[%get3A_398, %get3A_399] {strides = array<i32>} : memref<256x64xf32, #tpu.memory_space<vmem>>, vector<1x16xf32>,
        %get3A_401 = vector.shape_cast %get3A_400 : vector<1x16xf32> to vector<16xf32>
        %mul3A_402 = arith.constant 8.000000e+00 : f32
        %mul3A_403 = vector.broadcast %mul3A_402 : f32 to vector<16xf32>
        %mul3A_404 = arith.mulf %get3A_401, %mul3A_403 : vector<16xf32>
        %swap3A_405 = arith.index_cast %add3A_361 : i32 to index
        %swap3A_406 = arith.constant 48 : index
        %swap3A_407 = tpu.vector_load %arg8[%swap3A_405, %swap3A_406] {strides = array<i32>} : memref<256x64xf32, #tpu.memory_space<vmem>>, vector<1x16xf32>,
        %swap3A_408 = vector.shape_cast %swap3A_407 : vector<1x16xf32> to vector<16xf32>
        %swap3A_409 = vector.shape_cast %mul3A_404 : vector<16xf32> to vector<1x16xf32>
        tpu.vector_store %arg8[%swap3A_405, %swap3A_406], %swap3A_409 {strides = array<i32>} : memref<256x64xf32, #tpu.memory_space<vmem>>, vector<1x16xf32>,
        %scan3A_410 = arith.constant 3 : i32
        %scan3A_411 = arith.addi %scan3A_251, %scan3A_410 : i32
        %mul3A_412 = arith.constant 1 : i32
        %mul3A_413 = arith.muli %scan3A_411, %mul3A_412 : i32
        %add3A_414 = arith.constant 0 : i32
        %add3A_415 = arith.addi %add3A_414, %mul3A_413 : i32
        %get3A_416 = arith.index_cast %add3A_415 : i32 to index
        %get3A_417 = arith.constant 0 : index
        %get3A_418 = tpu.vector_load %arg8[%get3A_416, %get3A_417] {strides = array<i32>} : memref<256x64xf32, #tpu.memory_space<vmem>>, vector<1x16xf32>,
        %get3A_419 = vector.shape_cast %get3A_418 : vector<1x16xf32> to vector<16xf32>
        %mul3A_420 = arith.constant 8.000000e+00 : f32
        %mul3A_421 = vector.broadcast %mul3A_420 : f32 to vector<16xf32>
        %mul3A_422 = arith.mulf %get3A_419, %mul3A_421 : vector<16xf32>
        %swap3A_423 = arith.index_cast %add3A_415 : i32 to index
        %swap3A_424 = arith.constant 0 : index
        %swap3A_425 = tpu.vector_load %arg8[%swap3A_423, %swap3A_424] {strides = array<i32>} : memref<256x64xf32, #tpu.memory_space<vmem>>, vector<1x16xf32>,
        %swap3A_426 = vector.shape_cast %swap3A_425 : vector<1x16xf32> to vector<16xf32>
        %swap3A_427 = vector.shape_cast %mul3A_422 : vector<16xf32> to vector<1x16xf32>
        tpu.vector_store %arg8[%swap3A_423, %swap3A_424], %swap3A_427 {strides = array<i32>} : memref<256x64xf32, #tpu.memory_space<vmem>>, vector<1x16xf32>,
        %get3A_428 = arith.index_cast %add3A_415 : i32 to index
        %get3A_429 = arith.constant 16 : index
        %get3A_430 = tpu.vector_load %arg8[%get3A_428, %get3A_429] {strides = array<i32>} : memref<256x64xf32, #tpu.memory_space<vmem>>, vector<1x16xf32>,
        %get3A_431 = vector.shape_cast %get3A_430 : vector<1x16xf32> to vector<16xf32>
        %mul3A_432 = arith.constant 8.000000e+00 : f32
        %mul3A_433 = vector.broadcast %mul3A_432 : f32 to vector<16xf32>
        %mul3A_434 = arith.mulf %get3A_431, %mul3A_433 : vector<16xf32>
        %swap3A_435 = arith.index_cast %add3A_415 : i32 to index
        %swap3A_436 = arith.constant 16 : index
        %swap3A_437 = tpu.vector_load %arg8[%swap3A_435, %swap3A_436] {strides = array<i32>} : memref<256x64xf32, #tpu.memory_space<vmem>>, vector<1x16xf32>,
        %swap3A_438 = vector.shape_cast %swap3A_437 : vector<1x16xf32> to vector<16xf32>
        %swap3A_439 = vector.shape_cast %mul3A_434 : vector<16xf32> to vector<1x16xf32>
        tpu.vector_store %arg8[%swap3A_435, %swap3A_436], %swap3A_439 {strides = array<i32>} : memref<256x64xf32, #tpu.memory_space<vmem>>, vector<1x16xf32>,
        %get3A_440 = arith.index_cast %add3A_415 : i32 to index
        %get3A_441 = arith.constant 32 : index
        %get3A_442 = tpu.vector_load %arg8[%get3A_440, %get3A_441] {strides = array<i32>} : memref<256x64xf32, #tpu.memory_space<vmem>>, vector<1x16xf32>,
        %get3A_443 = vector.shape_cast %get3A_442 : vector<1x16xf32> to vector<16xf32>
        %mul3A_444 = arith.constant 8.000000e+00 : f32
        %mul3A_445 = vector.broadcast %mul3A_444 : f32 to vector<16xf32>
        %mul3A_446 = arith.mulf %get3A_443, %mul3A_445 : vector<16xf32>
        %swap3A_447 = arith.index_cast %add3A_415 : i32 to index
        %swap3A_448 = arith.constant 32 : index
        %swap3A_449 = tpu.vector_load %arg8[%swap3A_447, %swap3A_448] {strides = array<i32>} : memref<256x64xf32, #tpu.memory_space<vmem>>, vector<1x16xf32>,
        %swap3A_450 = vector.shape_cast %swap3A_449 : vector<1x16xf32> to vector<16xf32>
        %swap3A_451 = vector.shape_cast %mul3A_446 : vector<16xf32> to vector<1x16xf32>
        tpu.vector_store %arg8[%swap3A_447, %swap3A_448], %swap3A_451 {strides = array<i32>} : memref<256x64xf32, #tpu.memory_space<vmem>>, vector<1x16xf32>,
        %get3A_452 = arith.index_cast %add3A_415 : i32 to index
        %get3A_453 = arith.constant 48 : index
        %get3A_454 = tpu.vector_load %arg8[%get3A_452, %get3A_453] {strides = array<i32>} : memref<256x64xf32, #tpu.memory_space<vmem>>, vector<1x16xf32>,
        %get3A_455 = vector.shape_cast %get3A_454 : vector<1x16xf32> to vector<16xf32>
        %mul3A_456 = arith.constant 8.000000e+00 : f32
        %mul3A_457 = vector.broadcast %mul3A_456 : f32 to vector<16xf32>
        %mul3A_458 = arith.mulf %get3A_455, %mul3A_457 : vector<16xf32>
        %swap3A_459 = arith.index_cast %add3A_415 : i32 to index
        %swap3A_460 = arith.constant 48 : index
        %swap3A_461 = tpu.vector_load %arg8[%swap3A_459, %swap3A_460] {strides = array<i32>} : memref<256x64xf32, #tpu.memory_space<vmem>>, vector<1x16xf32>,
        %swap3A_462 = vector.shape_cast %swap3A_461 : vector<1x16xf32> to vector<16xf32>
        %swap3A_463 = vector.shape_cast %mul3A_458 : vector<16xf32> to vector<1x16xf32>
        tpu.vector_store %arg8[%swap3A_459, %swap3A_460], %swap3A_463 {strides = array<i32>} : memref<256x64xf32, #tpu.memory_space<vmem>>, vector<1x16xf32>,
      }
      %scan3A_189 = arith.constant 256 : i32
      %mul3A_190 = arith.constant 256 : i32
      %mul3A_191 = arith.muli %add3A_158, %mul3A_190 : i32
      %add3A_192 = arith.addi %mul3A_2, %mul3A_191 : i32
      %dma_start3A_193 = arith.constant 0 : i32
      %dma_start3A_194 = tpu.memref_slice %arg4[%add3A_192, %dma_start3A_193] : memref<819200x64xf32, #tpu.memory_space<hbm>> -> memref<256x64xf32, #tpu.memory_space<hbm>>
      %dma_start3A_195 = arith.constant 0 : i32
      %dma_start3A_196 = tpu.memref_slice %arg4[%add3A_192, %dma_start3A_195] : memref<819200x64xf32, #tpu.memory_space<hbm>> -> memref<256x64xf32, #tpu.memory_space<hbm>>
      tpu.enqueue_dma source(%arg8 : memref<256x64xf32, #tpu.memory_space<vmem>>) target(%dma_start3A_196 : memref<256x64xf32, #tpu.memory_space<hbm>>) target_semaphore(%arg16 : memref<!tpu.dma_semaphore, #tpu.memory_space<semaphore_mem>>)
      %add3A_197 = arith.constant 2 : i32
      %add3A_198 = arith.addi %add3A_158, %add3A_197 : i32
      %lt3A_199 = arith.constant 100 : i32
      %lt3A_200 = arith.cmpi slt, %add3A_198, %lt3A_199 : i32
      %convert_element_type3A_201 = arith.extui %lt3A_200 : i1 to i32
      %cond3A_202 = arith.constant 0 : i32
      %cond3A_203 = arith.cmpi ne, %convert_element_type3A_201, %cond3A_202 : i32
      scf.if %cond3A_203 {
        %add3A_251 = arith.constant 2 : i32
        %add3A_252 = arith.addi %add3A_158, %add3A_251 : i32
        %ge3A = arith.constant 4 : i32
        %ge3A_253 = arith.cmpi sge, %add3A_252, %ge3A : i32
        %convert_element_type3A_254 = arith.extui %ge3A_253 : i1 to i32
        %cond3A_255 = arith.constant 0 : i32
        %cond3A_256 = arith.cmpi ne, %convert_element_type3A_254, %cond3A_255 : i32
        scf.if %cond3A_256 {
          %dma_wait3A_285 = arith.constant 0 : i32
          %dma_wait3A_286 = tpu.memref_slice %arg4[%mul3A_2, %dma_wait3A_285] : memref<819200x64xf32, #tpu.memory_space<hbm>> -> memref<256x64xf32, #tpu.memory_space<hbm>>
          %dma_wait3A_287 = arith.constant 0 : i32
          %dma_wait3A_288 = tpu.memref_slice %arg4[%mul3A_2, %dma_wait3A_287] : memref<819200x64xf32, #tpu.memory_space<hbm>> -> memref<256x64xf32, #tpu.memory_space<hbm>>
          tpu.wait_dma2 semaphore(%arg14 : memref<!tpu.dma_semaphore, #tpu.memory_space<semaphore_mem>>) src(%arg6 : memref<256x64xf32, #tpu.memory_space<vmem>>) dst(%dma_wait3A_288 : memref<256x64xf32, #tpu.memory_space<hbm>>)
        } else {
        }
        %add3A_257 = arith.constant 2 : i32
        %add3A_258 = arith.addi %add3A_158, %add3A_257 : i32
        %mul3A_259 = arith.constant 2 : i32
        %mul3A_260 = arith.muli %add3A_258, %mul3A_259 : i32
        %add3A_261 = arith.constant 0 : i32
        %add3A_262 = arith.addi %mul3A_260, %add3A_261 : i32
        %dma_start3A_263 = arith.constant 0 : i32
        %dma_start3A_264 = arith.constant 0 : i32
        %dma_start3A_265 = tpu.memref_slice %arg6[%dma_start3A_263, %dma_start3A_264] : memref<256x64xf32, #tpu.memory_space<vmem>> -> memref<128x64xf32, #tpu.memory_space<vmem>>
        %dma_start3A_266 = arith.constant 0 : i32
        %dma_start3A_267 = tpu.memref_slice %arg5[%add3A_262, %dma_start3A_266] : memref<200x128xi32, #tpu.memory_space<vmem>> -> memref<1x128xi32, #tpu.memory_space<vmem>>
        %dma_start3A_268 = tpu.memref_squeeze %dma_start3A_267 : memref<1x128xi32, #tpu.memory_space<vmem>> -> memref<128xi32, #tpu.memory_space<vmem>>
        %dma_start3A_269 = arith.constant 0 : i32
        %dma_start3A_270 = arith.constant 0 : i32
        %dma_start3A_271 = tpu.memref_slice %arg3[%dma_start3A_269, %dma_start3A_270] : memref<1000000x64xf32, #tpu.memory_space<hbm>> -> memref<1000000x64xf32, #tpu.memory_space<hbm>>
        tpu.enqueue_indirect_dma source(%dma_start3A_271 : memref<1000000x64xf32, #tpu.memory_space<hbm>>) target(%dma_start3A_265 : memref<128x64xf32, #tpu.memory_space<vmem>>) offsets(%dma_start3A_268 : memref<128xi32, #tpu.memory_space<vmem>>) semaphore(%arg10 : memref<!tpu.dma_semaphore, #tpu.memory_space<semaphore_mem>>)
        %mul3A_272 = arith.constant 2 : i32
        %mul3A_273 = arith.muli %add3A_258, %mul3A_272 : i32
        %add3A_274 = arith.constant 1 : i32
        %add3A_275 = arith.addi %mul3A_273, %add3A_274 : i32
        %dma_start3A_276 = arith.constant 128 : i32
        %dma_start3A_277 = arith.constant 0 : i32
        %dma_start3A_278 = tpu.memref_slice %arg6[%dma_start3A_276, %dma_start3A_277] : memref<256x64xf32, #tpu.memory_space<vmem>> -> memref<128x64xf32, #tpu.memory_space<vmem>>
        %dma_start3A_279 = arith.constant 0 : i32
        %dma_start3A_280 = tpu.memref_slice %arg5[%add3A_275, %dma_start3A_279] : memref<200x128xi32, #tpu.memory_space<vmem>> -> memref<1x128xi32, #tpu.memory_space<vmem>>
        %dma_start3A_281 = tpu.memref_squeeze %dma_start3A_280 : memref<1x128xi32, #tpu.memory_space<vmem>> -> memref<128xi32, #tpu.memory_space<vmem>>
        %dma_start3A_282 = arith.constant 0 : i32
        %dma_start3A_283 = arith.constant 0 : i32
        %dma_start3A_284 = tpu.memref_slice %arg3[%dma_start3A_282, %dma_start3A_283] : memref<1000000x64xf32, #tpu.memory_space<hbm>> -> memref<1000000x64xf32, #tpu.memory_space<hbm>>
        tpu.enqueue_indirect_dma source(%dma_start3A_284 : memref<1000000x64xf32, #tpu.memory_space<hbm>>) target(%dma_start3A_278 : memref<128x64xf32, #tpu.memory_space<vmem>>) offsets(%dma_start3A_281 : memref<128xi32, #tpu.memory_space<vmem>>) semaphore(%arg10 : memref<!tpu.dma_semaphore, #tpu.memory_space<semaphore_mem>>)
      } else {
      }
      %add3A_204 = arith.constant 3 : i32
      %add3A_205 = arith.addi %add3A_65, %add3A_204 : i32
      %mul3A_206 = arith.constant 2 : i32
      %mul3A_207 = arith.muli %add3A_205, %mul3A_206 : i32
      %add3A_208 = arith.constant 0 : i32
      %add3A_209 = arith.addi %mul3A_207, %add3A_208 : i32
      %dma_wait3A_210 = arith.constant 0 : i32
      %dma_wait3A_211 = arith.constant 0 : i32
      %dma_wait3A_212 = tpu.memref_slice %arg9[%dma_wait3A_210, %dma_wait3A_211] : memref<256x64xf32, #tpu.memory_space<vmem>> -> memref<128x64xf32, #tpu.memory_space<vmem>>
      %dma_wait3A_213 = arith.constant 0 : i32
      %dma_wait3A_214 = tpu.memref_slice %arg5[%add3A_209, %dma_wait3A_213] : memref<200x128xi32, #tpu.memory_space<vmem>> -> memref<1x128xi32, #tpu.memory_space<vmem>>
      %dma_wait3A_215 = tpu.memref_squeeze %dma_wait3A_214 : memref<1x128xi32, #tpu.memory_space<vmem>> -> memref<128xi32, #tpu.memory_space<vmem>>
      %dma_wait3A_216 = arith.constant 0 : i32
      %dma_wait3A_217 = arith.constant 0 : i32
      %dma_wait3A_218 = tpu.memref_slice %arg3[%dma_wait3A_216, %dma_wait3A_217] : memref<1000000x64xf32, #tpu.memory_space<hbm>> -> memref<1000000x64xf32, #tpu.memory_space<hbm>>
      tpu.wait_indirect_dma semaphore(%arg13 : memref<!tpu.dma_semaphore, #tpu.memory_space<semaphore_mem>>) src(%dma_wait3A_218 : memref<1000000x64xf32, #tpu.memory_space<hbm>>) dst(%dma_wait3A_212 : memref<128x64xf32, #tpu.memory_space<vmem>>)
      %mul3A_219 = arith.constant 2 : i32
      %mul3A_220 = arith.muli %add3A_205, %mul3A_219 : i32
      %add3A_221 = arith.constant 1 : i32
      %add3A_222 = arith.addi %mul3A_220, %add3A_221 : i32
      %dma_wait3A_223 = arith.constant 128 : i32
      %dma_wait3A_224 = arith.constant 0 : i32
      %dma_wait3A_225 = tpu.memref_slice %arg9[%dma_wait3A_223, %dma_wait3A_224] : memref<256x64xf32, #tpu.memory_space<vmem>> -> memref<128x64xf32, #tpu.memory_space<vmem>>
      %dma_wait3A_226 = arith.constant 0 : i32
      %dma_wait3A_227 = tpu.memref_slice %arg5[%add3A_222, %dma_wait3A_226] : memref<200x128xi32, #tpu.memory_space<vmem>> -> memref<1x128xi32, #tpu.memory_space<vmem>>
      %dma_wait3A_228 = tpu.memref_squeeze %dma_wait3A_227 : memref<1x128xi32, #tpu.memory_space<vmem>> -> memref<128xi32, #tpu.memory_space<vmem>>
      %dma_wait3A_229 = arith.constant 0 : i32
      %dma_wait3A_230 = arith.constant 0 : i32
      %dma_wait3A_231 = tpu.memref_slice %arg3[%dma_wait3A_229, %dma_wait3A_230] : memref<1000000x64xf32, #tpu.memory_space<hbm>> -> memref<1000000x64xf32, #tpu.memory_space<hbm>>
      tpu.wait_indirect_dma semaphore(%arg13 : memref<!tpu.dma_semaphore, #tpu.memory_space<semaphore_mem>>) src(%dma_wait3A_231 : memref<1000000x64xf32, #tpu.memory_space<hbm>>) dst(%dma_wait3A_225 : memref<128x64xf32, #tpu.memory_space<vmem>>)
      %scan3A_232 = arith.constant 0 : i32
      %scan3A_233 = arith.constant 256 : i32
      %scan3A_234 = arith.addi %scan3A_232, %scan3A_233 : i32
      %scan3A_235 = arith.constant 4 : i32
      scf.for %scan3A_251 = %scan3A_232 to %scan3A_234 step %scan3A_235  : i32 {
        %mul3A_252 = arith.constant 1 : i32
        %mul3A_253 = arith.muli %scan3A_251, %mul3A_252 : i32
        %add3A_254 = arith.constant 0 : i32
        %add3A_255 = arith.addi %add3A_254, %mul3A_253 : i32
        %get3A = arith.index_cast %add3A_255 : i32 to index
        %get3A_256 = arith.constant 0 : index
        %get3A_257 = tpu.vector_load %arg9[%get3A, %get3A_256] {strides = array<i32>} : memref<256x64xf32, #tpu.memory_space<vmem>>, vector<1x16xf32>,
        %get3A_258 = vector.shape_cast %get3A_257 : vector<1x16xf32> to vector<16xf32>
        %mul3A_259 = arith.constant 8.000000e+00 : f32
        %mul3A_260 = vector.broadcast %mul3A_259 : f32 to vector<16xf32>
        %mul3A_261 = arith.mulf %get3A_258, %mul3A_260 : vector<16xf32>
        %swap3A = arith.index_cast %add3A_255 : i32 to index
        %swap3A_262 = arith.constant 0 : index
        %swap3A_263 = tpu.vector_load %arg9[%swap3A, %swap3A_262] {strides = array<i32>} : memref<256x64xf32, #tpu.memory_space<vmem>>, vector<1x16xf32>,
        %swap3A_264 = vector.shape_cast %swap3A_263 : vector<1x16xf32> to vector<16xf32>
        %swap3A_265 = vector.shape_cast %mul3A_261 : vector<16xf32> to vector<1x16xf32>
        tpu.vector_store %arg9[%swap3A, %swap3A_262], %swap3A_265 {strides = array<i32>} : memref<256x64xf32, #tpu.memory_space<vmem>>, vector<1x16xf32>,
        %get3A_266 = arith.index_cast %add3A_255 : i32 to index
        %get3A_267 = arith.constant 16 : index
        %get3A_268 = tpu.vector_load %arg9[%get3A_266, %get3A_267] {strides = array<i32>} : memref<256x64xf32, #tpu.memory_space<vmem>>, vector<1x16xf32>,
        %get3A_269 = vector.shape_cast %get3A_268 : vector<1x16xf32> to vector<16xf32>
        %mul3A_270 = arith.constant 8.000000e+00 : f32
        %mul3A_271 = vector.broadcast %mul3A_270 : f32 to vector<16xf32>
        %mul3A_272 = arith.mulf %get3A_269, %mul3A_271 : vector<16xf32>
        %swap3A_273 = arith.index_cast %add3A_255 : i32 to index
        %swap3A_274 = arith.constant 16 : index
        %swap3A_275 = tpu.vector_load %arg9[%swap3A_273, %swap3A_274] {strides = array<i32>} : memref<256x64xf32, #tpu.memory_space<vmem>>, vector<1x16xf32>,
        %swap3A_276 = vector.shape_cast %swap3A_275 : vector<1x16xf32> to vector<16xf32>
        %swap3A_277 = vector.shape_cast %mul3A_272 : vector<16xf32> to vector<1x16xf32>
        tpu.vector_store %arg9[%swap3A_273, %swap3A_274], %swap3A_277 {strides = array<i32>} : memref<256x64xf32, #tpu.memory_space<vmem>>, vector<1x16xf32>,
        %get3A_278 = arith.index_cast %add3A_255 : i32 to index
        %get3A_279 = arith.constant 32 : index
        %get3A_280 = tpu.vector_load %arg9[%get3A_278, %get3A_279] {strides = array<i32>} : memref<256x64xf32, #tpu.memory_space<vmem>>, vector<1x16xf32>,
        %get3A_281 = vector.shape_cast %get3A_280 : vector<1x16xf32> to vector<16xf32>
        %mul3A_282 = arith.constant 8.000000e+00 : f32
        %mul3A_283 = vector.broadcast %mul3A_282 : f32 to vector<16xf32>
        %mul3A_284 = arith.mulf %get3A_281, %mul3A_283 : vector<16xf32>
        %swap3A_285 = arith.index_cast %add3A_255 : i32 to index
        %swap3A_286 = arith.constant 32 : index
        %swap3A_287 = tpu.vector_load %arg9[%swap3A_285, %swap3A_286] {strides = array<i32>} : memref<256x64xf32, #tpu.memory_space<vmem>>, vector<1x16xf32>,
        %swap3A_288 = vector.shape_cast %swap3A_287 : vector<1x16xf32> to vector<16xf32>
        %swap3A_289 = vector.shape_cast %mul3A_284 : vector<16xf32> to vector<1x16xf32>
        tpu.vector_store %arg9[%swap3A_285, %swap3A_286], %swap3A_289 {strides = array<i32>} : memref<256x64xf32, #tpu.memory_space<vmem>>, vector<1x16xf32>,
        %get3A_290 = arith.index_cast %add3A_255 : i32 to index
        %get3A_291 = arith.constant 48 : index
        %get3A_292 = tpu.vector_load %arg9[%get3A_290, %get3A_291] {strides = array<i32>} : memref<256x64xf32, #tpu.memory_space<vmem>>, vector<1x16xf32>,
        %get3A_293 = vector.shape_cast %get3A_292 : vector<1x16xf32> to vector<16xf32>
        %mul3A_294 = arith.constant 8.000000e+00 : f32
        %mul3A_295 = vector.broadcast %mul3A_294 : f32 to vector<16xf32>
        %mul3A_296 = arith.mulf %get3A_293, %mul3A_295 : vector<16xf32>
        %swap3A_297 = arith.index_cast %add3A_255 : i32 to index
        %swap3A_298 = arith.constant 48 : index
        %swap3A_299 = tpu.vector_load %arg9[%swap3A_297, %swap3A_298] {strides = array<i32>} : memref<256x64xf32, #tpu.memory_space<vmem>>, vector<1x16xf32>,
        %swap3A_300 = vector.shape_cast %swap3A_299 : vector<1x16xf32> to vector<16xf32>
        %swap3A_301 = vector.shape_cast %mul3A_296 : vector<16xf32> to vector<1x16xf32>
        tpu.vector_store %arg9[%swap3A_297, %swap3A_298], %swap3A_301 {strides = array<i32>} : memref<256x64xf32, #tpu.memory_space<vmem>>, vector<1x16xf32>,
        %scan3A_302 = arith.constant 1 : i32
        %scan3A_303 = arith.addi %scan3A_251, %scan3A_302 : i32
        %mul3A_304 = arith.constant 1 : i32
        %mul3A_305 = arith.muli %scan3A_303, %mul3A_304 : i32
        %add3A_306 = arith.constant 0 : i32
        %add3A_307 = arith.addi %add3A_306, %mul3A_305 : i32
        %get3A_308 = arith.index_cast %add3A_307 : i32 to index
        %get3A_309 = arith.constant 0 : index
        %get3A_310 = tpu.vector_load %arg9[%get3A_308, %get3A_309] {strides = array<i32>} : memref<256x64xf32, #tpu.memory_space<vmem>>, vector<1x16xf32>,
        %get3A_311 = vector.shape_cast %get3A_310 : vector<1x16xf32> to vector<16xf32>
        %mul3A_312 = arith.constant 8.000000e+00 : f32
        %mul3A_313 = vector.broadcast %mul3A_312 : f32 to vector<16xf32>
        %mul3A_314 = arith.mulf %get3A_311, %mul3A_313 : vector<16xf32>
        %swap3A_315 = arith.index_cast %add3A_307 : i32 to index
        %swap3A_316 = arith.constant 0 : index
        %swap3A_317 = tpu.vector_load %arg9[%swap3A_315, %swap3A_316] {strides = array<i32>} : memref<256x64xf32, #tpu.memory_space<vmem>>, vector<1x16xf32>,
        %swap3A_318 = vector.shape_cast %swap3A_317 : vector<1x16xf32> to vector<16xf32>
        %swap3A_319 = vector.shape_cast %mul3A_314 : vector<16xf32> to vector<1x16xf32>
        tpu.vector_store %arg9[%swap3A_315, %swap3A_316], %swap3A_319 {strides = array<i32>} : memref<256x64xf32, #tpu.memory_space<vmem>>, vector<1x16xf32>,
        %get3A_320 = arith.index_cast %add3A_307 : i32 to index
        %get3A_321 = arith.constant 16 : index
        %get3A_322 = tpu.vector_load %arg9[%get3A_320, %get3A_321] {strides = array<i32>} : memref<256x64xf32, #tpu.memory_space<vmem>>, vector<1x16xf32>,
        %get3A_323 = vector.shape_cast %get3A_322 : vector<1x16xf32> to vector<16xf32>
        %mul3A_324 = arith.constant 8.000000e+00 : f32
        %mul3A_325 = vector.broadcast %mul3A_324 : f32 to vector<16xf32>
        %mul3A_326 = arith.mulf %get3A_323, %mul3A_325 : vector<16xf32>
        %swap3A_327 = arith.index_cast %add3A_307 : i32 to index
        %swap3A_328 = arith.constant 16 : index
        %swap3A_329 = tpu.vector_load %arg9[%swap3A_327, %swap3A_328] {strides = array<i32>} : memref<256x64xf32, #tpu.memory_space<vmem>>, vector<1x16xf32>,
        %swap3A_330 = vector.shape_cast %swap3A_329 : vector<1x16xf32> to vector<16xf32>
        %swap3A_331 = vector.shape_cast %mul3A_326 : vector<16xf32> to vector<1x16xf32>
        tpu.vector_store %arg9[%swap3A_327, %swap3A_328], %swap3A_331 {strides = array<i32>} : memref<256x64xf32, #tpu.memory_space<vmem>>, vector<1x16xf32>,
        %get3A_332 = arith.index_cast %add3A_307 : i32 to index
        %get3A_333 = arith.constant 32 : index
        %get3A_334 = tpu.vector_load %arg9[%get3A_332, %get3A_333] {strides = array<i32>} : memref<256x64xf32, #tpu.memory_space<vmem>>, vector<1x16xf32>,
        %get3A_335 = vector.shape_cast %get3A_334 : vector<1x16xf32> to vector<16xf32>
        %mul3A_336 = arith.constant 8.000000e+00 : f32
        %mul3A_337 = vector.broadcast %mul3A_336 : f32 to vector<16xf32>
        %mul3A_338 = arith.mulf %get3A_335, %mul3A_337 : vector<16xf32>
        %swap3A_339 = arith.index_cast %add3A_307 : i32 to index
        %swap3A_340 = arith.constant 32 : index
        %swap3A_341 = tpu.vector_load %arg9[%swap3A_339, %swap3A_340] {strides = array<i32>} : memref<256x64xf32, #tpu.memory_space<vmem>>, vector<1x16xf32>,
        %swap3A_342 = vector.shape_cast %swap3A_341 : vector<1x16xf32> to vector<16xf32>
        %swap3A_343 = vector.shape_cast %mul3A_338 : vector<16xf32> to vector<1x16xf32>
        tpu.vector_store %arg9[%swap3A_339, %swap3A_340], %swap3A_343 {strides = array<i32>} : memref<256x64xf32, #tpu.memory_space<vmem>>, vector<1x16xf32>,
        %get3A_344 = arith.index_cast %add3A_307 : i32 to index
        %get3A_345 = arith.constant 48 : index
        %get3A_346 = tpu.vector_load %arg9[%get3A_344, %get3A_345] {strides = array<i32>} : memref<256x64xf32, #tpu.memory_space<vmem>>, vector<1x16xf32>,
        %get3A_347 = vector.shape_cast %get3A_346 : vector<1x16xf32> to vector<16xf32>
        %mul3A_348 = arith.constant 8.000000e+00 : f32
        %mul3A_349 = vector.broadcast %mul3A_348 : f32 to vector<16xf32>
        %mul3A_350 = arith.mulf %get3A_347, %mul3A_349 : vector<16xf32>
        %swap3A_351 = arith.index_cast %add3A_307 : i32 to index
        %swap3A_352 = arith.constant 48 : index
        %swap3A_353 = tpu.vector_load %arg9[%swap3A_351, %swap3A_352] {strides = array<i32>} : memref<256x64xf32, #tpu.memory_space<vmem>>, vector<1x16xf32>,
        %swap3A_354 = vector.shape_cast %swap3A_353 : vector<1x16xf32> to vector<16xf32>
        %swap3A_355 = vector.shape_cast %mul3A_350 : vector<16xf32> to vector<1x16xf32>
        tpu.vector_store %arg9[%swap3A_351, %swap3A_352], %swap3A_355 {strides = array<i32>} : memref<256x64xf32, #tpu.memory_space<vmem>>, vector<1x16xf32>,
        %scan3A_356 = arith.constant 2 : i32
        %scan3A_357 = arith.addi %scan3A_251, %scan3A_356 : i32
        %mul3A_358 = arith.constant 1 : i32
        %mul3A_359 = arith.muli %scan3A_357, %mul3A_358 : i32
        %add3A_360 = arith.constant 0 : i32
        %add3A_361 = arith.addi %add3A_360, %mul3A_359 : i32
        %get3A_362 = arith.index_cast %add3A_361 : i32 to index
        %get3A_363 = arith.constant 0 : index
        %get3A_364 = tpu.vector_load %arg9[%get3A_362, %get3A_363] {strides = array<i32>} : memref<256x64xf32, #tpu.memory_space<vmem>>, vector<1x16xf32>,
        %get3A_365 = vector.shape_cast %get3A_364 : vector<1x16xf32> to vector<16xf32>
        %mul3A_366 = arith.constant 8.000000e+00 : f32
        %mul3A_367 = vector.broadcast %mul3A_366 : f32 to vector<16xf32>
        %mul3A_368 = arith.mulf %get3A_365, %mul3A_367 : vector<16xf32>
        %swap3A_369 = arith.index_cast %add3A_361 : i32 to index
        %swap3A_370 = arith.constant 0 : index
        %swap3A_371 = tpu.vector_load %arg9[%swap3A_369, %swap3A_370] {strides = array<i32>} : memref<256x64xf32, #tpu.memory_space<vmem>>, vector<1x16xf32>,
        %swap3A_372 = vector.shape_cast %swap3A_371 : vector<1x16xf32> to vector<16xf32>
        %swap3A_373 = vector.shape_cast %mul3A_368 : vector<16xf32> to vector<1x16xf32>
        tpu.vector_store %arg9[%swap3A_369, %swap3A_370], %swap3A_373 {strides = array<i32>} : memref<256x64xf32, #tpu.memory_space<vmem>>, vector<1x16xf32>,
        %get3A_374 = arith.index_cast %add3A_361 : i32 to index
        %get3A_375 = arith.constant 16 : index
        %get3A_376 = tpu.vector_load %arg9[%get3A_374, %get3A_375] {strides = array<i32>} : memref<256x64xf32, #tpu.memory_space<vmem>>, vector<1x16xf32>,
        %get3A_377 = vector.shape_cast %get3A_376 : vector<1x16xf32> to vector<16xf32>
        %mul3A_378 = arith.constant 8.000000e+00 : f32
        %mul3A_379 = vector.broadcast %mul3A_378 : f32 to vector<16xf32>
        %mul3A_380 = arith.mulf %get3A_377, %mul3A_379 : vector<16xf32>
        %swap3A_381 = arith.index_cast %add3A_361 : i32 to index
        %swap3A_382 = arith.constant 16 : index
        %swap3A_383 = tpu.vector_load %arg9[%swap3A_381, %swap3A_382] {strides = array<i32>} : memref<256x64xf32, #tpu.memory_space<vmem>>, vector<1x16xf32>,
        %swap3A_384 = vector.shape_cast %swap3A_383 : vector<1x16xf32> to vector<16xf32>
        %swap3A_385 = vector.shape_cast %mul3A_380 : vector<16xf32> to vector<1x16xf32>
        tpu.vector_store %arg9[%swap3A_381, %swap3A_382], %swap3A_385 {strides = array<i32>} : memref<256x64xf32, #tpu.memory_space<vmem>>, vector<1x16xf32>,
        %get3A_386 = arith.index_cast %add3A_361 : i32 to index
        %get3A_387 = arith.constant 32 : index
        %get3A_388 = tpu.vector_load %arg9[%get3A_386, %get3A_387] {strides = array<i32>} : memref<256x64xf32, #tpu.memory_space<vmem>>, vector<1x16xf32>,
        %get3A_389 = vector.shape_cast %get3A_388 : vector<1x16xf32> to vector<16xf32>
        %mul3A_390 = arith.constant 8.000000e+00 : f32
        %mul3A_391 = vector.broadcast %mul3A_390 : f32 to vector<16xf32>
        %mul3A_392 = arith.mulf %get3A_389, %mul3A_391 : vector<16xf32>
        %swap3A_393 = arith.index_cast %add3A_361 : i32 to index
        %swap3A_394 = arith.constant 32 : index
        %swap3A_395 = tpu.vector_load %arg9[%swap3A_393, %swap3A_394] {strides = array<i32>} : memref<256x64xf32, #tpu.memory_space<vmem>>, vector<1x16xf32>,
        %swap3A_396 = vector.shape_cast %swap3A_395 : vector<1x16xf32> to vector<16xf32>
        %swap3A_397 = vector.shape_cast %mul3A_392 : vector<16xf32> to vector<1x16xf32>
        tpu.vector_store %arg9[%swap3A_393, %swap3A_394], %swap3A_397 {strides = array<i32>} : memref<256x64xf32, #tpu.memory_space<vmem>>, vector<1x16xf32>,
        %get3A_398 = arith.index_cast %add3A_361 : i32 to index
        %get3A_399 = arith.constant 48 : index
        %get3A_400 = tpu.vector_load %arg9[%get3A_398, %get3A_399] {strides = array<i32>} : memref<256x64xf32, #tpu.memory_space<vmem>>, vector<1x16xf32>,
        %get3A_401 = vector.shape_cast %get3A_400 : vector<1x16xf32> to vector<16xf32>
        %mul3A_402 = arith.constant 8.000000e+00 : f32
        %mul3A_403 = vector.broadcast %mul3A_402 : f32 to vector<16xf32>
        %mul3A_404 = arith.mulf %get3A_401, %mul3A_403 : vector<16xf32>
        %swap3A_405 = arith.index_cast %add3A_361 : i32 to index
        %swap3A_406 = arith.constant 48 : index
        %swap3A_407 = tpu.vector_load %arg9[%swap3A_405, %swap3A_406] {strides = array<i32>} : memref<256x64xf32, #tpu.memory_space<vmem>>, vector<1x16xf32>,
        %swap3A_408 = vector.shape_cast %swap3A_407 : vector<1x16xf32> to vector<16xf32>
        %swap3A_409 = vector.shape_cast %mul3A_404 : vector<16xf32> to vector<1x16xf32>
        tpu.vector_store %arg9[%swap3A_405, %swap3A_406], %swap3A_409 {strides = array<i32>} : memref<256x64xf32, #tpu.memory_space<vmem>>, vector<1x16xf32>,
        %scan3A_410 = arith.constant 3 : i32
        %scan3A_411 = arith.addi %scan3A_251, %scan3A_410 : i32
        %mul3A_412 = arith.constant 1 : i32
        %mul3A_413 = arith.muli %scan3A_411, %mul3A_412 : i32
        %add3A_414 = arith.constant 0 : i32
        %add3A_415 = arith.addi %add3A_414, %mul3A_413 : i32
        %get3A_416 = arith.index_cast %add3A_415 : i32 to index
        %get3A_417 = arith.constant 0 : index
        %get3A_418 = tpu.vector_load %arg9[%get3A_416, %get3A_417] {strides = array<i32>} : memref<256x64xf32, #tpu.memory_space<vmem>>, vector<1x16xf32>,
        %get3A_419 = vector.shape_cast %get3A_418 : vector<1x16xf32> to vector<16xf32>
        %mul3A_420 = arith.constant 8.000000e+00 : f32
        %mul3A_421 = vector.broadcast %mul3A_420 : f32 to vector<16xf32>
        %mul3A_422 = arith.mulf %get3A_419, %mul3A_421 : vector<16xf32>
        %swap3A_423 = arith.index_cast %add3A_415 : i32 to index
        %swap3A_424 = arith.constant 0 : index
        %swap3A_425 = tpu.vector_load %arg9[%swap3A_423, %swap3A_424] {strides = array<i32>} : memref<256x64xf32, #tpu.memory_space<vmem>>, vector<1x16xf32>,
        %swap3A_426 = vector.shape_cast %swap3A_425 : vector<1x16xf32> to vector<16xf32>
        %swap3A_427 = vector.shape_cast %mul3A_422 : vector<16xf32> to vector<1x16xf32>
        tpu.vector_store %arg9[%swap3A_423, %swap3A_424], %swap3A_427 {strides = array<i32>} : memref<256x64xf32, #tpu.memory_space<vmem>>, vector<1x16xf32>,
        %get3A_428 = arith.index_cast %add3A_415 : i32 to index
        %get3A_429 = arith.constant 16 : index
        %get3A_430 = tpu.vector_load %arg9[%get3A_428, %get3A_429] {strides = array<i32>} : memref<256x64xf32, #tpu.memory_space<vmem>>, vector<1x16xf32>,
        %get3A_431 = vector.shape_cast %get3A_430 : vector<1x16xf32> to vector<16xf32>
        %mul3A_432 = arith.constant 8.000000e+00 : f32
        %mul3A_433 = vector.broadcast %mul3A_432 : f32 to vector<16xf32>
        %mul3A_434 = arith.mulf %get3A_431, %mul3A_433 : vector<16xf32>
        %swap3A_435 = arith.index_cast %add3A_415 : i32 to index
        %swap3A_436 = arith.constant 16 : index
        %swap3A_437 = tpu.vector_load %arg9[%swap3A_435, %swap3A_436] {strides = array<i32>} : memref<256x64xf32, #tpu.memory_space<vmem>>, vector<1x16xf32>,
        %swap3A_438 = vector.shape_cast %swap3A_437 : vector<1x16xf32> to vector<16xf32>
        %swap3A_439 = vector.shape_cast %mul3A_434 : vector<16xf32> to vector<1x16xf32>
        tpu.vector_store %arg9[%swap3A_435, %swap3A_436], %swap3A_439 {strides = array<i32>} : memref<256x64xf32, #tpu.memory_space<vmem>>, vector<1x16xf32>,
        %get3A_440 = arith.index_cast %add3A_415 : i32 to index
        %get3A_441 = arith.constant 32 : index
        %get3A_442 = tpu.vector_load %arg9[%get3A_440, %get3A_441] {strides = array<i32>} : memref<256x64xf32, #tpu.memory_space<vmem>>, vector<1x16xf32>,
        %get3A_443 = vector.shape_cast %get3A_442 : vector<1x16xf32> to vector<16xf32>
        %mul3A_444 = arith.constant 8.000000e+00 : f32
        %mul3A_445 = vector.broadcast %mul3A_444 : f32 to vector<16xf32>
        %mul3A_446 = arith.mulf %get3A_443, %mul3A_445 : vector<16xf32>
        %swap3A_447 = arith.index_cast %add3A_415 : i32 to index
        %swap3A_448 = arith.constant 32 : index
        %swap3A_449 = tpu.vector_load %arg9[%swap3A_447, %swap3A_448] {strides = array<i32>} : memref<256x64xf32, #tpu.memory_space<vmem>>, vector<1x16xf32>,
        %swap3A_450 = vector.shape_cast %swap3A_449 : vector<1x16xf32> to vector<16xf32>
        %swap3A_451 = vector.shape_cast %mul3A_446 : vector<16xf32> to vector<1x16xf32>
        tpu.vector_store %arg9[%swap3A_447, %swap3A_448], %swap3A_451 {strides = array<i32>} : memref<256x64xf32, #tpu.memory_space<vmem>>, vector<1x16xf32>,
        %get3A_452 = arith.index_cast %add3A_415 : i32 to index
        %get3A_453 = arith.constant 48 : index
        %get3A_454 = tpu.vector_load %arg9[%get3A_452, %get3A_453] {strides = array<i32>} : memref<256x64xf32, #tpu.memory_space<vmem>>, vector<1x16xf32>,
        %get3A_455 = vector.shape_cast %get3A_454 : vector<1x16xf32> to vector<16xf32>
        %mul3A_456 = arith.constant 8.000000e+00 : f32
        %mul3A_457 = vector.broadcast %mul3A_456 : f32 to vector<16xf32>
        %mul3A_458 = arith.mulf %get3A_455, %mul3A_457 : vector<16xf32>
        %swap3A_459 = arith.index_cast %add3A_415 : i32 to index
        %swap3A_460 = arith.constant 48 : index
        %swap3A_461 = tpu.vector_load %arg9[%swap3A_459, %swap3A_460] {strides = array<i32>} : memref<256x64xf32, #tpu.memory_space<vmem>>, vector<1x16xf32>,
        %swap3A_462 = vector.shape_cast %swap3A_461 : vector<1x16xf32> to vector<16xf32>
        %swap3A_463 = vector.shape_cast %mul3A_458 : vector<16xf32> to vector<1x16xf32>
        tpu.vector_store %arg9[%swap3A_459, %swap3A_460], %swap3A_463 {strides = array<i32>} : memref<256x64xf32, #tpu.memory_space<vmem>>, vector<1x16xf32>,
      }
      %scan3A_236 = arith.constant 256 : i32
      %mul3A_237 = arith.constant 256 : i32
      %mul3A_238 = arith.muli %add3A_205, %mul3A_237 : i32
      %add3A_239 = arith.addi %mul3A_2, %mul3A_238 : i32
      %dma_start3A_240 = arith.constant 0 : i32
      %dma_start3A_241 = tpu.memref_slice %arg4[%add3A_239, %dma_start3A_240] : memref<819200x64xf32, #tpu.memory_space<hbm>> -> memref<256x64xf32, #tpu.memory_space<hbm>>
      %dma_start3A_242 = arith.constant 0 : i32
      %dma_start3A_243 = tpu.memref_slice %arg4[%add3A_239, %dma_start3A_242] : memref<819200x64xf32, #tpu.memory_space<hbm>> -> memref<256x64xf32, #tpu.memory_space<hbm>>
      tpu.enqueue_dma source(%arg9 : memref<256x64xf32, #tpu.memory_space<vmem>>) target(%dma_start3A_243 : memref<256x64xf32, #tpu.memory_space<hbm>>) target_semaphore(%arg17 : memref<!tpu.dma_semaphore, #tpu.memory_space<semaphore_mem>>)
      %add3A_244 = arith.constant 2 : i32
      %add3A_245 = arith.addi %add3A_205, %add3A_244 : i32
      %lt3A_246 = arith.constant 100 : i32
      %lt3A_247 = arith.cmpi slt, %add3A_245, %lt3A_246 : i32
      %convert_element_type3A_248 = arith.extui %lt3A_247 : i1 to i32
      %cond3A_249 = arith.constant 0 : i32
      %cond3A_250 = arith.cmpi ne, %convert_element_type3A_248, %cond3A_249 : i32
      scf.if %cond3A_250 {
        %add3A_251 = arith.constant 2 : i32
        %add3A_252 = arith.addi %add3A_205, %add3A_251 : i32
        %ge3A = arith.constant 4 : i32
        %ge3A_253 = arith.cmpi sge, %add3A_252, %ge3A : i32
        %convert_element_type3A_254 = arith.extui %ge3A_253 : i1 to i32
        %cond3A_255 = arith.constant 0 : i32
        %cond3A_256 = arith.cmpi ne, %convert_element_type3A_254, %cond3A_255 : i32
        scf.if %cond3A_256 {
          %dma_wait3A_285 = arith.constant 0 : i32
          %dma_wait3A_286 = tpu.memref_slice %arg4[%mul3A_2, %dma_wait3A_285] : memref<819200x64xf32, #tpu.memory_space<hbm>> -> memref<256x64xf32, #tpu.memory_space<hbm>>
          %dma_wait3A_287 = arith.constant 0 : i32
          %dma_wait3A_288 = tpu.memref_slice %arg4[%mul3A_2, %dma_wait3A_287] : memref<819200x64xf32, #tpu.memory_space<hbm>> -> memref<256x64xf32, #tpu.memory_space<hbm>>
          tpu.wait_dma2 semaphore(%arg15 : memref<!tpu.dma_semaphore, #tpu.memory_space<semaphore_mem>>) src(%arg7 : memref<256x64xf32, #tpu.memory_space<vmem>>) dst(%dma_wait3A_288 : memref<256x64xf32, #tpu.memory_space<hbm>>)
        } else {
        }
        %add3A_257 = arith.constant 2 : i32
        %add3A_258 = arith.addi %add3A_205, %add3A_257 : i32
        %mul3A_259 = arith.constant 2 : i32
        %mul3A_260 = arith.muli %add3A_258, %mul3A_259 : i32
        %add3A_261 = arith.constant 0 : i32
        %add3A_262 = arith.addi %mul3A_260, %add3A_261 : i32
        %dma_start3A_263 = arith.constant 0 : i32
        %dma_start3A_264 = arith.constant 0 : i32
        %dma_start3A_265 = tpu.memref_slice %arg7[%dma_start3A_263, %dma_start3A_264] : memref<256x64xf32, #tpu.memory_space<vmem>> -> memref<128x64xf32, #tpu.memory_space<vmem>>
        %dma_start3A_266 = arith.constant 0 : i32
        %dma_start3A_267 = tpu.memref_slice %arg5[%add3A_262, %dma_start3A_266] : memref<200x128xi32, #tpu.memory_space<vmem>> -> memref<1x128xi32, #tpu.memory_space<vmem>>
        %dma_start3A_268 = tpu.memref_squeeze %dma_start3A_267 : memref<1x128xi32, #tpu.memory_space<vmem>> -> memref<128xi32, #tpu.memory_space<vmem>>
        %dma_start3A_269 = arith.constant 0 : i32
        %dma_start3A_270 = arith.constant 0 : i32
        %dma_start3A_271 = tpu.memref_slice %arg3[%dma_start3A_269, %dma_start3A_270] : memref<1000000x64xf32, #tpu.memory_space<hbm>> -> memref<1000000x64xf32, #tpu.memory_space<hbm>>
        tpu.enqueue_indirect_dma source(%dma_start3A_271 : memref<1000000x64xf32, #tpu.memory_space<hbm>>) target(%dma_start3A_265 : memref<128x64xf32, #tpu.memory_space<vmem>>) offsets(%dma_start3A_268 : memref<128xi32, #tpu.memory_space<vmem>>) semaphore(%arg11 : memref<!tpu.dma_semaphore, #tpu.memory_space<semaphore_mem>>)
        %mul3A_272 = arith.constant 2 : i32
        %mul3A_273 = arith.muli %add3A_258, %mul3A_272 : i32
        %add3A_274 = arith.constant 1 : i32
        %add3A_275 = arith.addi %mul3A_273, %add3A_274 : i32
        %dma_start3A_276 = arith.constant 128 : i32
        %dma_start3A_277 = arith.constant 0 : i32
        %dma_start3A_278 = tpu.memref_slice %arg7[%dma_start3A_276, %dma_start3A_277] : memref<256x64xf32, #tpu.memory_space<vmem>> -> memref<128x64xf32, #tpu.memory_space<vmem>>
        %dma_start3A_279 = arith.constant 0 : i32
        %dma_start3A_280 = tpu.memref_slice %arg5[%add3A_275, %dma_start3A_279] : memref<200x128xi32, #tpu.memory_space<vmem>> -> memref<1x128xi32, #tpu.memory_space<vmem>>
        %dma_start3A_281 = tpu.memref_squeeze %dma_start3A_280 : memref<1x128xi32, #tpu.memory_space<vmem>> -> memref<128xi32, #tpu.memory_space<vmem>>
        %dma_start3A_282 = arith.constant 0 : i32
        %dma_start3A_283 = arith.constant 0 : i32
        %dma_start3A_284 = tpu.memref_slice %arg3[%dma_start3A_282, %dma_start3A_283] : memref<1000000x64xf32, #tpu.memory_space<hbm>> -> memref<1000000x64xf32, #tpu.memory_space<hbm>>
        tpu.enqueue_indirect_dma source(%dma_start3A_284 : memref<1000000x64xf32, #tpu.memory_space<hbm>>) target(%dma_start3A_278 : memref<128x64xf32, #tpu.memory_space<vmem>>) offsets(%dma_start3A_281 : memref<128xi32, #tpu.memory_space<vmem>>) semaphore(%arg11 : memref<!tpu.dma_semaphore, #tpu.memory_space<semaphore_mem>>)
      } else {
      }
    }
    %scan3A_45 = arith.constant 25 : i32
    %dma_wait3A = arith.constant 0 : i32
    %dma_wait3A_46 = tpu.memref_slice %arg4[%mul3A_2, %dma_wait3A] : memref<819200x64xf32, #tpu.memory_space<hbm>> -> memref<256x64xf32, #tpu.memory_space<hbm>>
    %dma_wait3A_47 = arith.constant 0 : i32
    %dma_wait3A_48 = tpu.memref_slice %arg4[%mul3A_2, %dma_wait3A_47] : memref<819200x64xf32, #tpu.memory_space<hbm>> -> memref<256x64xf32, #tpu.memory_space<hbm>>
    tpu.wait_dma2 semaphore(%arg14 : memref<!tpu.dma_semaphore, #tpu.memory_space<semaphore_mem>>) src(%arg6 : memref<256x64xf32, #tpu.memory_space<vmem>>) dst(%dma_wait3A_48 : memref<256x64xf32, #tpu.memory_space<hbm>>)
    %dma_wait3A_49 = arith.constant 0 : i32
    %dma_wait3A_50 = tpu.memref_slice %arg4[%mul3A_2, %dma_wait3A_49] : memref<819200x64xf32, #tpu.memory_space<hbm>> -> memref<256x64xf32, #tpu.memory_space<hbm>>
    %dma_wait3A_51 = arith.constant 0 : i32
    %dma_wait3A_52 = tpu.memref_slice %arg4[%mul3A_2, %dma_wait3A_51] : memref<819200x64xf32, #tpu.memory_space<hbm>> -> memref<256x64xf32, #tpu.memory_space<hbm>>
    tpu.wait_dma2 semaphore(%arg15 : memref<!tpu.dma_semaphore, #tpu.memory_space<semaphore_mem>>) src(%arg7 : memref<256x64xf32, #tpu.memory_space<vmem>>) dst(%dma_wait3A_52 : memref<256x64xf32, #tpu.memory_space<hbm>>)
    %dma_wait3A_53 = arith.constant 0 : i32
    %dma_wait3A_54 = tpu.memref_slice %arg4[%mul3A_2, %dma_wait3A_53] : memref<819200x64xf32, #tpu.memory_space<hbm>> -> memref<256x64xf32, #tpu.memory_space<hbm>>
    %dma_wait3A_55 = arith.constant 0 : i32
    %dma_wait3A_56 = tpu.memref_slice %arg4[%mul3A_2, %dma_wait3A_55] : memref<819200x64xf32, #tpu.memory_space<hbm>> -> memref<256x64xf32, #tpu.memory_space<hbm>>
    tpu.wait_dma2 semaphore(%arg16 : memref<!tpu.dma_semaphore, #tpu.memory_space<semaphore_mem>>) src(%arg8 : memref<256x64xf32, #tpu.memory_space<vmem>>) dst(%dma_wait3A_56 : memref<256x64xf32, #tpu.memory_space<hbm>>)
    %dma_wait3A_57 = arith.constant 0 : i32
    %dma_wait3A_58 = tpu.memref_slice %arg4[%mul3A_2, %dma_wait3A_57] : memref<819200x64xf32, #tpu.memory_space<hbm>> -> memref<256x64xf32, #tpu.memory_space<hbm>>
    %dma_wait3A_59 = arith.constant 0 : i32
    %dma_wait3A_60 = tpu.memref_slice %arg4[%mul3A_2, %dma_wait3A_59] : memref<819200x64xf32, #tpu.memory_space<hbm>> -> memref<256x64xf32, #tpu.memory_space<hbm>>
    tpu.wait_dma2 semaphore(%arg17 : memref<!tpu.dma_semaphore, #tpu.memory_space<semaphore_mem>>) src(%arg9 : memref<256x64xf32, #tpu.memory_space<vmem>>) dst(%dma_wait3A_60 : memref<256x64xf32, #tpu.memory_space<hbm>>)
    return
  }
}

</mosaic_0001>

<sc_bundles>
// kernel: kernel.3.cloned.1.call-start
scs
__scs_entry_jumppad:
0x0: {  	(pc) =	sbr.rel $0x88, $3  }
0x1: {  	(tag) =	ssettag $0x0;
	lr =	simm.s32 $0x1  }
0x2: {  	[smem:$0x3F9F] =	sst lr;
	_ =	strace $0xD0000000  }
0x3: {  	_ = 	snop  }
0x4: {  	_ = 	snop  }
0x5: {  	_ = 	snop  }
0x6: {  	_ = 	snop  }
0x7: {  	_ = 	snop  }
__scs_overlays_trampoline_lowered:
0x8: {  	[smem:$0x3FAE] =	sst s0  }
0x9: {  	[smem:$0x3FAF] =	sst s1  }
0xa: {  	[smem:$0x3FB0] =	sst s2  }
0xb: {  	[smem:$0x3FB1] =	sst s3  }
0xc: {  	[smem:$0x3FB2] =	sst s4  }
0xd: {  	[smem:$0x3FB3] =	sst s5  }
0xe: {  	[smem:$0x3FB4] =	sst s6  }
0xf: {  	[smem:$0x3FB5] =	sst s7  }
0x10: {  	[smem:$0x3FB6] =	sst s8  }
0x11: {  	[smem:$0x3FB7] =	sst s9;
	s0 =	simm.s32 @!p0 $0x0  }
0x12: {  	s1 =	sld [smem:$0x3F9D];
	s0 =	simm.s32 @p0 $0x1  }
0x13: {  	[smem:$0x3FB8] =	sst s0;
	s0 =	simm.s32 @!p1 $0x0  }
0x14: {  	s2 =	sld [smem:$0x3F9C];
	s0 =	simm.s32 @p1 $0x1  }
0x15: {  	[smem:$0x3FB9] =	sst s0;
	s0 =	simm.s32 @!p2 $0x0  }
0x16: {  	s3 =	sld [smem:$0x3FDB];
	s0 =	simm.s32 @p2 $0x1  }
0x17: {  	s4 =	simm.s32 $0x1BF5;
	[smem:$0x3FBB] =	sst s0  }
0x18: {  	s0 =	sld [smem:$0x3F9E];
	_ =	swait.ge [sflag:s4], $0x0  }
0x19: {  	s7 =	sld [smem:$0x3F9F]  }
0x1a: {  	s8 =	sadd.s32 $0xFFFFE003, lr  }
0x1b: {  	s9 =	sadd.s32 $0xFFFFFEF7, lr;
	s5 =	simm.s32 $0xFFFFFFFF;
	p2 =	slt.u32 s8, $0xFFFFF086  }
0x1c: {  	p1 =	slt.u32 s9, $0xF7A;
	s5 =	simm.s32 @!p2 $0x0  }
0x1d: {  	s5 =	simm.s32 @p1 $0x1;
	p0 =	seq.s32 s7, s2  }
0x1e: {  	s7 =	smul.u32 @!p0 $0xF7A, s2;
	p2 =	seq.s32 @!p0 s5, $0x0  }
0x1f: {  	s9 =	smul.u32 $0xF7A, s1;
	s8 =	simm.s32 @!p0 $0x1BF5;
	p2 =	por !p2, p0  }
0x20: {  	[sflag:s8] =	ssyncset.s32 @!p0 $0xFFFFF086;
	s6 =	sadd.s32 @!p0 s3, s7;
	s7 =	simm.s32 @!p0 $0x108  }
0x21: {  	s3 =	sadd.s32 s3, s9;
	s6 =	sadd.s32 @!p0 $0x88, s6;
	s7 =	simm.s32 @p2 $0x1082  }
0x22: {  	[simem:s7], [sflag:s8] =	dma.local @!p0 [hbm:s6], $0xF7A  }
0x23: {  	s9 =	sor.u32 $0xD0000000, s2;
	s6 =	simm.s32 $0x108;
	_ =	swait.ge @!p0 [sflag:s8], $0x0  }
0x24: {  	s3 =	sadd.s32 $0x88, s3;
	s6 =	simm.s32 @!p1 $0x1082;
	[sflag:s4] =	ssyncset.s32 $0xFFFFF086  }
0x25: {  	[simem:s6], [sflag:s4] =	dma.local [hbm:s3], $0xF7A  }
0x26: {  	[smem:$0x3F9F] =	sst s1;
	(tag) =	ssettag s2;
	_ =	strace s9  }
0x27: {  	s1 =	sld [smem:$0x3FAF]  }
0x28: {  	s2 =	sld [smem:$0x3FB0]  }
0x29: {  	s4 =	sld [smem:$0x3FB2]  }
0x2a: {  	p0 =	seq.s32 s5, $0x0;
	s5 =	sld [smem:$0x3FB3]  }
0x2b: {  	s6 =	sld [smem:$0x3FB4]  }
0x2c: {  	s7 =	sld [smem:$0x3FB5]  }
0x2d: {  	s3 =	simm.s32 $0x108;
	s8 =	sld [smem:$0x3FB6]  }
0x2e: {  	s3 =	simm.s32 @!p0 $0x1082;
	s9 =	sld [smem:$0x3FB7]  }
0x2f: {  	lr =	sadd.s32 s0, s3;
	s0 =	sld [smem:$0x3FAE]  }
0x30: {  	s3 =	sld [smem:$0x3FB1]  }
0x31: {  	[smem:$0x3FBA] =	sst s10  }
0x32: {  	s10 =	sld [smem:$0x3FB8];
	_ =	sdelay $0x3  }
0x33: {  	p0 =	seq.s32 s10, $0x1;
	s10 =	sld [smem:$0x3FBA];
	_ =	sdelay $0x3  }
0x34: {  	[smem:$0x3FBA] =	sst s10  }
0x35: {  	s10 =	sld [smem:$0x3FB9];
	_ =	sdelay $0x3  }
0x36: {  	p1 =	seq.s32 s10, $0x1;
	s10 =	sld [smem:$0x3FBA];
	_ =	sdelay $0x3  }
0x37: {  	[smem:$0x3FBA] =	sst s10  }
0x38: {  	s10 =	sld [smem:$0x3FBB]  }
0x39: {  	_ = 	snop;
	(pc) =	sbr.ind lr, $3  }
0x3a: {  	_ = 	snop  }
0x3b: {  	_ = 	snop  }
0x3c: {  	p2 =	seq.s32 s10, $0x1;
	s10 =	sld [smem:$0x3FBA]  }
0x3d: {  	_ =	shalt  }
0x3e: {  	_ =	shalt  }
0x3f: {  	_ =	shalt  }
0x40: {  	_ =	shalt  }
0x41: {  	_ =	shalt  }
0x42: {  	_ =	shalt  }
0x43: {  	_ =	shalt  }
0x44: {  	_ =	shalt  }
0x45: {  	_ =	shalt  }
0x46: {  	_ =	shalt  }
0x47: {  	_ =	shalt  }
0x48: {  	_ =	shalt  }
0x49: {  	_ =	shalt  }
0x4a: {  	_ =	shalt  }
0x4b: {  	_ =	shalt  }
0x4c: {  	_ =	shalt  }
0x4d: {  	_ =	shalt  }
0x4e: {  	_ =	shalt  }
0x4f: {  	_ =	shalt  }
0x50: {  	_ =	shalt  }
0x51: {  	_ =	shalt  }
0x52: {  	_ =	shalt  }
0x53: {  	_ =	shalt  }
0x54: {  	_ =	shalt  }
0x55: {  	_ =	shalt  }
0x56: {  	_ =	shalt  }
0x57: {  	_ =	shalt  }
0x58: {  	_ =	shalt  }
0x59: {  	_ =	shalt  }
0x5a: {  	_ =	shalt  }
0x5b: {  	_ =	shalt  }
0x5c: {  	_ =	shalt  }
0x5d: {  	_ =	shalt  }
0x5e: {  	_ =	shalt  }
0x5f: {  	_ =	shalt  }
0x60: {  	_ =	shalt  }
0x61: {  	_ =	shalt  }
0x62: {  	_ =	shalt  }
0x63: {  	_ =	shalt  }
0x64: {  	_ =	shalt  }
0x65: {  	_ =	shalt  }
0x66: {  	_ =	shalt  }
0x67: {  	_ =	shalt  }
0x68: {  	_ =	shalt  }
0x69: {  	_ =	shalt  }
0x6a: {  	_ =	shalt  }
0x6b: {  	_ =	shalt  }
0x6c: {  	_ =	shalt  }
0x6d: {  	_ =	shalt  }
0x6e: {  	_ =	shalt  }
0x6f: {  	_ =	shalt  }
0x70: {  	_ =	shalt  }
0x71: {  	_ =	shalt  }
0x72: {  	_ =	shalt  }
0x73: {  	_ =	shalt  }
0x74: {  	_ =	shalt  }
0x75: {  	_ =	shalt  }
0x76: {  	_ =	shalt  }
0x77: {  	_ =	shalt  }
0x78: {  	_ =	shalt  }
0x79: {  	_ =	shalt  }
0x7a: {  	_ =	shalt  }
0x7b: {  	_ =	shalt  }
0x7c: {  	_ =	shalt  }
0x7d: {  	_ =	shalt  }
0x7e: {  	_ =	shalt  }
0x7f: {  	_ =	shalt  }
0x80: {  	_ =	shalt  }
0x81: {  	_ =	shalt  }
0x82: {  	_ =	shalt  }
0x83: {  	_ =	shalt  }
0x84: {  	_ =	shalt  }
0x85: {  	_ =	shalt  }
0x86: {  	_ =	shalt  }
0x87: {  	_ =	shalt  }
.Lfunc_end0:
.L_simem_size_0:
called_computation.1_lowered:
.L_overlay_start_0:
0x88: {  	s2 =	sld [smem:$0x3FD9]  }
0x89: {  	s3 =	sld [smem:$0x3FFE];
	_ =	sdelay $0x1  }
0x8a: {  	s1 =	srdreg.scid  }
0x8b: {  	s0 =	sand.u32 $0x1, s1  }
0x8c: {  	s17 =	sshll.u32 s0, $0xA;
	s2 =	sadd.s32 s3, s2  }
0x8d: {  	s2 =	sadd.s32 s2, s17  }
0x8e: {  	[smem:$0x3FC6] =	sst s2  }
0x8f: {  	_ = 	snop  }
0x90: {  	s2 =	sld [smem:$0x3FD0];
	(tm) =	ssettm $0x1  }
0x91: {  	s18 =	sld [smem:$0x3FFB];
	_ =	sdelay $0x3  }
0x92: {  	_ =	strace s18  }
0x93: {  	s3 =	sld [smem:$0x3FFC];
	_ =	sdelay $0x3  }
0x94: {  	_ =	strace s3  }
0x95: {  	s3 =	sld [smem:$0x3FFD];
	_ =	sdelay $0x3  }
0x96: {  	_ =	strace s3  }
0x97: {  	_ =	strace $0x8FFFFFFF  }
0x98: {  	s19 =	sld [smem:$0x3FDB];
	_ =	sdelay $0x1  }
0x99: {  	s4 =	simm.s32 $_scs_section_size  }
0x9a: {  	s5 =	simm.s32 $_size__tile_overlayer_lowered;
	s6 =	simm.s32 $_tile_overlayer_lowered  }
0x9b: {  	s22 =	simm.s32 $0x1BFF;
	s21 =	sshll.u32 s6, $0x1;
	s3 =	sadd.s32 s4, s19  }
0x9c: {  	s7 =	simm.s32 $0x0;
	s20 =	sshll.u32 s5, $0x1;
	s5 =	sadd.s32 s21, s3  }
0x9d: {  	[timem:s7], [sflag:s22] =	dma.local [hbm:s5], s20  }
0x9e: {  	_ =	swait.ge [sflag:s22], s20  }
0x9f: {  	s4 =	ssub.s32 $0x0, s20;
	[sflag:s22] =	ssyncset.done $0x0  }
0xa0: {  	[sflag:s22] =	ssyncadd.s32 s4;
	_ =	sdelay $0x1  }
0xa1: {  	s23 =	simm.s32 $0x1B8B  }
0xa2: {  	_ =	swait.ge [sflag:s23], $0x1  }
0xa3: {  	[sflag:s23] =	ssyncset.done $0x0  }
0xa4: {  	s25 =	simm.s32 $0x1B8E;
	s24 =	sld [smem:$0x3FFE];
	[sflag:s23] =	ssyncadd.s32 $0xFFFFFFFF  }
0xa5: {  	s26 =	simm.s32 $execute0_lowered;
	[smem:$0x3FD2] =	sst s25  }
0xa6: {  	s5 =	sshll.u32 s26, $0x1;
	_ =	strace $0x80000046;
	[dreg:$0x1] =	wrdreg $0xFFFFFFFF  }
0xa7: {  	s28 =	simm.s32 $_size_execute0_lowered;
	s3 =	sadd.s32 s3, s5;
	[dreg:$0x0] =	wrdreg $0x0  }
0xa8: {  	s5 =	sshll.u32 s28, $0x1;
	[dreg:$0x2] =	wrdreg s3  }
0xa9: {  	[dreg:$0x3] =	wrdreg s5  }
0xaa: {  	[dreg:$0x4] =	wrdreg $0xC0  }
0xab: {  	_ =	task [dreg:s7], $0x5FFFF  }
0xac: {  	[dreg:$0x1] =	wrdreg $0xFFFFFFFF  }
0xad: {  	[dreg:$0x0] =	wrdreg $0x60  }
0xae: {  	[dreg:$0x2] =	wrdreg s24  }
0xaf: {  	[dreg:$0x3] =	wrdreg s2  }
0xb0: {  	[dreg:$0x4] =	wrdreg $0x9  }
0xb1: {  	_ =	task.clear_ibuf [dreg:s7], $0x5FFFF;
	_ =	strace $0x90000046  }
0xb2: {  	s29 =	simm.s32 $0x9;
	_ =	strace $0x80000048  }
0xb3: {  	_ =	swait.ge [sflag:s29], $0x1  }
0xb4: {  	[sflag:s29] =	ssyncadd.s32 $0xFFFFFFFF  }
0xb5: {  	_ =	strace $0x90000048  }
0xb6: {  	_ =	sfence  }
0xb7: {  	s30 =	sld [smem:$0x0];
	_ =	sdelay $0x2  }
0xb8: {  	s31 =	sshll.u32 s1, $0xD;
	s1 =	sshrl.u32 s1, $0x2  }
0xb9: {  	s3 =	sand.u32 $0x4000, s31;
	s1 =	sadd.s32 s1, s30  }
0xba: {  	s0 =	sor.u32 s3, s0;
	s1 =	sshll.u32 s1, $0x11  }
0xbb: {  	s0 =	sor.u32 s1, s0  }
0xbc: {  	s0 =	sadd.s32 $0x8F2B, s0  }
0xbd: {  	[sflag:s0] =	ssyncadd.remote.s32 $0x1  }
0xbe: {  	_ =	sfence.sel $0xFFFF  }
0xbf: {  	[dreg:$0x0] =	wrdreg $0xFFFFFFFF;
	(pc) =	sbr.abs _section_cstart, $3  }
0xc0: {  	[dreg:$0x1] =	wrdreg $0xFFFFFFFF  }
0xc1: {  	_ =	task.clear_ibuf [dreg:s7], $0x2FFFF;
	_ =	strace $0x9FFFFFFF  }
0xc2: {  	(tm) =	ssettm $0x7FFFFFFF  }
0xc3: {  	_ =	shalt  }
tec
execute0_lowered:
.L_overlay_start_1:
0x0: {  	(tag) =	ssettag $0x1  }
0x1: {  	s0 =	rddreg [dreg:$0x0];
	s1 =	srdreg.scid  }
0x2: {  	s3 =	stileid.u32;
	s2 =	rddreg [dreg:$0x1];
	s9 =	simm.s32 $0x9  }
0x3: {  	s10 =	simm.s32 $0x80;
	s11 =	simm.s32 $0x6400;
	s14 =	simm.s32 $0xA400  }
0x4: {  	s16 =	simm.s32 $0xC400;
	s17 =	simm.s32 $0x1;
	s18 =	simm.s32 $0xE400  }
0x5: {  	s19 =	simm.s32 $0x10400;
	s20 =	simm.s32 $0x2;
	s21 =	simm.s32 $0x12400  }
0x6: {  	s22 =	simm.s32 $0x14400;
	s23 =	simm.s32 $0x3;
	s24 =	simm.s32 $0x4  }
0x7: {  	s25 =	simm.s32 $0x5;
	s1 =	sand.u32 $0x1, s1;
	s4 =	sshll.u32 s3, $0x1  }
0x8: {  	s28 =	simm.s32 $0x7;
	s29 =	simm.s32 $0x8;
	s6 =	sor.u32 s1, s4  }
0x9: {  	s30 =	simm.s32 $0x0;
	s3 =	simm.s32 $0x0;
	s4 =	smul.u32 $0xC80, s6  }
.Ltmp0:
0xa: {  	[smem:$0x7FF] =	sst s3;
	s1 =	ssub.s32 $0x2, s1;
	(pc) =	sbr.rel .LBB2_1-.Ltmp0, $4  }
0xb: {  	_ =	strace $0x80000047;
	s7 =	smul.u32 $0x32000, s6;
	s26 =	sshrl.u32 s1, $0x1  }
0xc: {  	s6 =	smul.u32 $0x190000, s6;
	s5 =	sadd.s32 s4, s0;
	s4 =	sadd.s32 $0xF42E00, s0  }
0xd: {  	s0 =	ssub.s32 s1, s26;
	s31 =	sadd.s32 s7, s2;
	s26 =	simm.s32 $0x6  }
0xe: {  	s5 =	sadd.s32 $0xA00, s5;
	s7 =	smax.u32 s0, $0x1;
	s8 =	sadd.s32 $0x800, s31  }
.LBB2_12:
0xf: {  	_ =	swait.ge [sflag:s25], $0x4000  }
0x10: {  	[sflag:s25] =	ssyncset.done $0x0  }
0x11: {  	[sflag:s25] =	ssyncadd.s32 $0xFFFFC000  }
0x12: {  	_ =	swait.ge [sflag:s26], $0x4000  }
0x13: {  	[sflag:s26] =	ssyncset.done $0x0  }
0x14: {  	s30 =	sadd.s32 $0x1, s30;
	[sflag:s26] =	ssyncadd.s32 $0xFFFFC000  }
0x15: {  	p0 =	sne.s32 s30, s7;
	_ =	swait.ge [sflag:s28], $0x4000  }
.Ltmp1:
0x16: {  	[sflag:s28] =	ssyncset.done $0x0;
	(pc) =	sbr.rel @!p0 .LBB2_13-.Ltmp1, $4  }
0x17: {  	[sflag:s28] =	ssyncadd.s32 $0xFFFFC000  }
0x18: {  	_ =	swait.ge [sflag:s29], $0x4000  }
0x19: {  	[sflag:s29] =	ssyncset.done $0x0  }
0x1a: {  	[sflag:s29] =	ssyncadd.s32 $0xFFFFC000  }
.LBB2_1:
0x1b: {  	[tilespmem:s3], [sflag:$0x9] =	stream.linear.gather [hbm4b:s5+s3], $0x6400, $0x38;
	[tilespmem:$0x16400] =	vst v63  }
0x1c: {  	_ =	swait.ge [sflag:s9], $0x6400  }
0x1d: {  	[sflag:s9] =	ssyncset.done $0x0  }
0x1e: {  	[sflag:s9] =	ssyncadd.s32 $0xFFFF9C00  }
0x1f: {  	[tilespmem:s11], [sflag:$0x1] =	stream.indirect.gather [hbm4b:s4+s10], $0x40, s3, s10, $0xb8;
	[tilespmem:$0x16400] =	vst v63  }
0x20: {  	s0 =	simm.s32 $0x8400  }
0x21: {  	[tilespmem:s0], [sflag:$0x1] =	stream.indirect.gather [hbm4b:s4+s10], $0x40, s10, s10, $0xb8;
	[tilespmem:$0x16400] =	vst v63  }
0x22: {  	s13 =	simm.s32 $0x100  }
0x23: {  	[tilespmem:s14], [sflag:$0x2] =	stream.indirect.gather [hbm4b:s4+s10], $0x40, s13, s10, $0xb8;
	[tilespmem:$0x16400] =	vst v63  }
0x24: {  	s15 =	simm.s32 $0x180;
	s31 =	simm.s32 $0x0  }
0x25: {  	[tilespmem:s16], [sflag:$0x2] =	stream.indirect.gather [hbm4b:s4+s10], $0x40, s15, s10, $0xb8;
	[tilespmem:$0x16400] =	vst v63  }
.LBB2_2:
0x26: {  	_ =	swait.ge [sflag:s17], $0x2000  }
0x27: {  	[sflag:s17] =	ssyncset.done $0x0  }
0x28: {  	[sflag:s17] =	ssyncadd.s32 $0xFFFFE000  }
0x29: {  	_ =	swait.ge [sflag:s17], $0x2000  }
0x2a: {  	[sflag:s17] =	ssyncset.done $0x0  }
0x2b: {  	s0 =	simm.s32 $0x6480;
	[sflag:s17] =	ssyncadd.s32 $0xFFFFE000  }
0x2c: {  	v0 =	vld [tilespmem:s0+$0xFFFFFF80]  }
0x2d: {  	v1 =	vld [tilespmem:s0+$0xFFFFFF90]  }
0x2e: {  	v2 =	vld [tilespmem:s0+$0xFFFFFFA0]  }
0x2f: {  	v3 =	vld [tilespmem:s0+$0xFFFFFFB0]  }
0x30: {  	v4 =	vld [tilespmem:s0+$0xFFFFFFC0]  }
0x31: {  	v5 =	vld [tilespmem:s0+$0xFFFFFFD0];
	v0 =	vmul.f32 $8.000000000e+00, v0  }
0x32: {  	v6 =	vld [tilespmem:s0+$0xFFFFFFE0];
	v1 =	vmul.f32 $8.000000000e+00, v1  }
0x33: {  	[tilespmem:s0+$0xFFFFFF80] =	vst v0;
	v0 =	vmul.f32 $8.000000000e+00, v2;
	v2 =	vld [tilespmem:s0+$0x0]  }
0x34: {  	[tilespmem:s0+$0xFFFFFF90] =	vst v1;
	v1 =	vmul.f32 $8.000000000e+00, v3;
	v3 =	vld [tilespmem:s0+$0x10]  }
0x35: {  	[tilespmem:s0+$0xFFFFFFA0] =	vst v0;
	v0 =	vmul.f32 $8.000000000e+00, v4;
	v4 =	vld [tilespmem:s0+$0x20]  }
0x36: {  	v7 =	vld [tilespmem:s0+$0x30];
	[tilespmem:s0+$0xFFFFFFB0] =	vst v1;
	v1 =	vmul.f32 $8.000000000e+00, v5  }
0x37: {  	v5 =	vmul.f32 $8.000000000e+00, v6;
	[tilespmem:s0+$0xFFFFFFC0] =	vst v0;
	v0 =	vld [tilespmem:s0+$0x40]  }
0x38: {  	[tilespmem:s0+$0xFFFFFFD0] =	vst v1;
	v1 =	vmul.f32 $8.000000000e+00, v2;
	v2 =	vld [tilespmem:s0+$0x50]  }
0x39: {  	[tilespmem:s0+$0xFFFFFFE0] =	vst v5;
	v6 =	vmul.f32 $8.000000000e+00, v3;
	v3 =	vld [tilespmem:s0+$0x60]  }
0x3a: {  	[tilespmem:s0+$0x0] =	vst v1;
	v5 =	vmul.f32 $8.000000000e+00, v4;
	v4 =	vld [tilespmem:s0+$0x70]  }
0x3b: {  	s1 =	simm.s32 $0x0;
	s12 =	simm.s32 $0x6580;
	v1 =	vld [tilespmem:s0+$0xFFFFFFF0];
	[tilespmem:s0+$0x10] =	vst v6;
	v6 =	vmul.f32 $8.000000000e+00, v7  }
.LBB2_3:
0x3c: {  	v7 =	vld [tilespmem:s12+$0xFFFFFF80];
	[tilespmem:s0+$0x20] =	vst v5;
	v0 =	vmul.f32 $8.000000000e+00, v0  }
0x3d: {  	v5 =	vld [tilespmem:s12+$0xFFFFFF90];
	[tilespmem:s0+$0x30] =	vst v6;
	v2 =	vmul.f32 $8.000000000e+00, v2  }
0x3e: {  	v6 =	vld [tilespmem:s12+$0xFFFFFFA0];
	[tilespmem:s0+$0x40] =	vst v0;
	v0 =	vmul.f32 $8.000000000e+00, v3  }
0x3f: {  	v3 =	vld [tilespmem:s12+$0xFFFFFFB0];
	[tilespmem:s0+$0x50] =	vst v2;
	v2 =	vmul.f32 $8.000000000e+00, v4  }
0x40: {  	v4 =	vld [tilespmem:s12+$0xFFFFFFC0];
	v1 =	vmul.f32 $8.000000000e+00, v1;
	[tilespmem:s0+$0x60] =	vst v0  }
0x41: {  	v0 =	vmul.f32 $8.000000000e+00, v7;
	v7 =	vld [tilespmem:s12+$0xFFFFFFD0];
	[tilespmem:s0+$0x70] =	vst v2  }
0x42: {  	v2 =	vmul.f32 $8.000000000e+00, v5;
	v5 =	vld [tilespmem:s12+$0xFFFFFFE0];
	[tilespmem:s0+$0xFFFFFFF0] =	vst v1;
	s0 =	smov.u32 s12  }
0x43: {  	[tilespmem:s12+$0xFFFFFF80] =	vst v0;
	v0 =	vmul.f32 $8.000000000e+00, v6;
	v1 =	vld [tilespmem:s12+$0x0]  }
0x44: {  	[tilespmem:s12+$0xFFFFFF90] =	vst v2;
	v2 =	vmul.f32 $8.000000000e+00, v3;
	v3 =	vld [tilespmem:s12+$0x10]  }
0x45: {  	s1 =	sadd.s32 $0x4, s1;
	[tilespmem:s12+$0xFFFFFFA0] =	vst v0;
	v0 =	vmul.f32 $8.000000000e+00, v4;
	v4 =	vld [tilespmem:s12+$0x20]  }
0x46: {  	p0 =	slt.u32 s1, $0xFC;
	[tilespmem:s12+$0xFFFFFFB0] =	vst v2;
	v2 =	vmul.f32 $8.000000000e+00, v7;
	v6 =	vld [tilespmem:s12+$0x30]  }
.Ltmp2:
0x47: {  	[tilespmem:s12+$0xFFFFFFC0] =	vst v0;
	v5 =	vmul.f32 $8.000000000e+00, v5;
	v0 =	vld [tilespmem:s12+$0x40];
	(pc) =	sbr.rel @p0 .LBB2_3-.Ltmp2, $4  }
0x48: {  	[tilespmem:s12+$0xFFFFFFD0] =	vst v2;
	v1 =	vmul.f32 $8.000000000e+00, v1;
	v2 =	vld [tilespmem:s12+$0x50]  }
0x49: {  	[tilespmem:s12+$0xFFFFFFE0] =	vst v5;
	v7 =	vmul.f32 $8.000000000e+00, v3;
	v3 =	vld [tilespmem:s12+$0x60]  }
0x4a: {  	[tilespmem:s12+$0x0] =	vst v1;
	v5 =	vmul.f32 $8.000000000e+00, v4;
	v4 =	vld [tilespmem:s12+$0x70]  }
0x4b: {  	s12 =	sadd.s32 $0x100, s12;
	v1 =	vld [tilespmem:s0+$0xFFFFFFF0];
	[tilespmem:s0+$0x10] =	vst v7;
	v6 =	vmul.f32 $8.000000000e+00, v6  }
0x4c: {  	[tilespmem:s0+$0x20] =	vst v5;
	v0 =	vmul.f32 $8.000000000e+00, v0  }
0x4d: {  	[tilespmem:s0+$0x30] =	vst v6;
	v2 =	vmul.f32 $8.000000000e+00, v2  }
0x4e: {  	[tilespmem:s0+$0x40] =	vst v0;
	v0 =	vmul.f32 $8.000000000e+00, v3  }
0x4f: {  	s1 =	sshll.u32 s31, $0x10;
	[tilespmem:s0+$0x50] =	vst v2;
	v2 =	vmul.f32 $8.000000000e+00, v4  }
0x50: {  	s1 =	sadd.s32 s6, s1;
	v1 =	vmul.f32 $8.000000000e+00, v1;
	[tilespmem:s0+$0x60] =	vst v0  }
0x51: {  	p0 =	seq.s32 s31, $0x0;
	s1 =	sshrl.u32 s1, $0x3;
	[tilespmem:s0+$0x70] =	vst v2  }
0x52: {  	s12 =	simm.s32 @!p0 $0x7;
	s13 =	sadd.s32 s2, s1;
	s1 =	sshll.u32 s31, $0x2;
	[tilespmem:s0+$0xFFFFFFF0] =	vst v1  }
0x53: {  	[hbm4b:s13+s3] =	stream.linear.scatter [tilespmem:s11], [sflag:$0x5], $0x4000, $0x38;
	[tilespmem:$0x16400] =	vst v63  }
0x54: {  	s0 =	sor.u32 $0x2, s1;
	_ =	swait.ge @!p0 [sflag:s12], $0x4000  }
0x55: {  	s13 =	sshll.u32 s0, $0x8;
	[sflag:s12] =	ssyncset.done @!p0 $0x0  }
0x56: {  	s15 =	sand.u32 $0x3FFFFF00, s13;
	[sflag:s12] =	ssyncadd.s32 @!p0 $0xFFFFC000  }
0x57: {  	[tilespmem:s18], [sflag:$0x3] =	stream.indirect.gather [hbm4b:s4+s10], $0x40, s15, s10, $0xb8;
	[tilespmem:$0x16400] =	vst v63  }
0x58: {  	s12 =	sor.u32 $0x80, s15  }
0x59: {  	[tilespmem:s19], [sflag:$0x3] =	stream.indirect.gather [hbm4b:s4+s10], $0x40, s12, s10, $0xb8;
	[tilespmem:$0x16400] =	vst v63  }
0x5a: {  	_ =	swait.ge [sflag:s20], $0x2000  }
0x5b: {  	[sflag:s20] =	ssyncset.done $0x0  }
0x5c: {  	[sflag:s20] =	ssyncadd.s32 $0xFFFFE000  }
0x5d: {  	_ =	swait.ge [sflag:s20], $0x2000  }
0x5e: {  	[sflag:s20] =	ssyncset.done $0x0  }
0x5f: {  	s12 =	simm.s32 $0xA480;
	[sflag:s20] =	ssyncadd.s32 $0xFFFFE000  }
0x60: {  	v0 =	vld [tilespmem:s12+$0xFFFFFF80]  }
0x61: {  	v1 =	vld [tilespmem:s12+$0xFFFFFF90]  }
0x62: {  	v2 =	vld [tilespmem:s12+$0xFFFFFFA0]  }
0x63: {  	v3 =	vld [tilespmem:s12+$0xFFFFFFB0]  }
0x64: {  	v4 =	vld [tilespmem:s12+$0xFFFFFFC0]  }
0x65: {  	v5 =	vld [tilespmem:s12+$0xFFFFFFD0];
	v0 =	vmul.f32 $8.000000000e+00, v0  }
0x66: {  	v6 =	vld [tilespmem:s12+$0xFFFFFFE0];
	v1 =	vmul.f32 $8.000000000e+00, v1  }
0x67: {  	[tilespmem:s12+$0xFFFFFF80] =	vst v0;
	v0 =	vmul.f32 $8.000000000e+00, v2;
	v2 =	vld [tilespmem:s12+$0x0]  }
0x68: {  	[tilespmem:s12+$0xFFFFFF90] =	vst v1;
	v1 =	vmul.f32 $8.000000000e+00, v3;
	v3 =	vld [tilespmem:s12+$0x10]  }
0x69: {  	[tilespmem:s12+$0xFFFFFFA0] =	vst v0;
	v0 =	vmul.f32 $8.000000000e+00, v4;
	v4 =	vld [tilespmem:s12+$0x20]  }
0x6a: {  	v7 =	vld [tilespmem:s12+$0x30];
	[tilespmem:s12+$0xFFFFFFB0] =	vst v1;
	v1 =	vmul.f32 $8.000000000e+00, v5  }
0x6b: {  	v5 =	vmul.f32 $8.000000000e+00, v6;
	[tilespmem:s12+$0xFFFFFFC0] =	vst v0;
	v0 =	vld [tilespmem:s12+$0x40]  }
0x6c: {  	[tilespmem:s12+$0xFFFFFFD0] =	vst v1;
	v1 =	vld [tilespmem:s12+$0x50];
	v2 =	vmul.f32 $8.000000000e+00, v2  }
0x6d: {  	[tilespmem:s12+$0xFFFFFFE0] =	vst v5;
	v6 =	vmul.f32 $8.000000000e+00, v3;
	v3 =	vld [tilespmem:s12+$0x60]  }
0x6e: {  	[tilespmem:s12+$0x0] =	vst v2;
	v5 =	vmul.f32 $8.000000000e+00, v4;
	v4 =	vld [tilespmem:s12+$0x70]  }
0x6f: {  	s13 =	simm.s32 $0x0;
	s15 =	simm.s32 $0xA580;
	v2 =	vld [tilespmem:s12+$0xFFFFFFF0];
	[tilespmem:s12+$0x10] =	vst v6;
	v6 =	vmul.f32 $8.000000000e+00, v7  }
.LBB2_5:
0x70: {  	v7 =	vld [tilespmem:s15+$0xFFFFFF80];
	[tilespmem:s12+$0x20] =	vst v5;
	v0 =	vmul.f32 $8.000000000e+00, v0  }
0x71: {  	v5 =	vld [tilespmem:s15+$0xFFFFFF90];
	[tilespmem:s12+$0x30] =	vst v6;
	v1 =	vmul.f32 $8.000000000e+00, v1  }
0x72: {  	v6 =	vld [tilespmem:s15+$0xFFFFFFA0];
	[tilespmem:s12+$0x40] =	vst v0;
	v0 =	vmul.f32 $8.000000000e+00, v3  }
0x73: {  	v3 =	vld [tilespmem:s15+$0xFFFFFFB0];
	[tilespmem:s12+$0x50] =	vst v1;
	v1 =	vmul.f32 $8.000000000e+00, v4  }
0x74: {  	v4 =	vld [tilespmem:s15+$0xFFFFFFC0];
	v2 =	vmul.f32 $8.000000000e+00, v2;
	[tilespmem:s12+$0x60] =	vst v0  }
0x75: {  	v0 =	vmul.f32 $8.000000000e+00, v7;
	v7 =	vld [tilespmem:s15+$0xFFFFFFD0];
	[tilespmem:s12+$0x70] =	vst v1  }
0x76: {  	v1 =	vmul.f32 $8.000000000e+00, v5;
	v5 =	vld [tilespmem:s15+$0xFFFFFFE0];
	[tilespmem:s12+$0xFFFFFFF0] =	vst v2;
	s12 =	smov.u32 s15  }
0x77: {  	[tilespmem:s15+$0xFFFFFF80] =	vst v0;
	v0 =	vmul.f32 $8.000000000e+00, v6;
	v2 =	vld [tilespmem:s15+$0x0]  }
0x78: {  	[tilespmem:s15+$0xFFFFFF90] =	vst v1;
	v1 =	vmul.f32 $8.000000000e+00, v3;
	v3 =	vld [tilespmem:s15+$0x10]  }
0x79: {  	s13 =	sadd.s32 $0x4, s13;
	[tilespmem:s15+$0xFFFFFFA0] =	vst v0;
	v0 =	vmul.f32 $8.000000000e+00, v4;
	v4 =	vld [tilespmem:s15+$0x20]  }
0x7a: {  	p1 =	slt.u32 s13, $0xFC;
	[tilespmem:s15+$0xFFFFFFB0] =	vst v1;
	v1 =	vmul.f32 $8.000000000e+00, v7;
	v6 =	vld [tilespmem:s15+$0x30]  }
.Ltmp3:
0x7b: {  	[tilespmem:s15+$0xFFFFFFC0] =	vst v0;
	v5 =	vmul.f32 $8.000000000e+00, v5;
	v0 =	vld [tilespmem:s15+$0x40];
	(pc) =	sbr.rel @p1 .LBB2_5-.Ltmp3, $4  }
0x7c: {  	[tilespmem:s15+$0xFFFFFFD0] =	vst v1;
	v2 =	vmul.f32 $8.000000000e+00, v2;
	v1 =	vld [tilespmem:s15+$0x50]  }
0x7d: {  	[tilespmem:s15+$0xFFFFFFE0] =	vst v5;
	v7 =	vmul.f32 $8.000000000e+00, v3;
	v3 =	vld [tilespmem:s15+$0x60]  }
0x7e: {  	[tilespmem:s15+$0x0] =	vst v2;
	v5 =	vmul.f32 $8.000000000e+00, v4;
	v4 =	vld [tilespmem:s15+$0x70]  }
0x7f: {  	s15 =	sadd.s32 $0x100, s15;
	v2 =	vld [tilespmem:s12+$0xFFFFFFF0];
	[tilespmem:s12+$0x10] =	vst v7;
	v6 =	vmul.f32 $8.000000000e+00, v6  }
0x80: {  	[tilespmem:s12+$0x20] =	vst v5;
	v0 =	vmul.f32 $8.000000000e+00, v0  }
0x81: {  	[tilespmem:s12+$0x30] =	vst v6;
	v1 =	vmul.f32 $8.000000000e+00, v1  }
0x82: {  	[tilespmem:s12+$0x40] =	vst v0;
	v0 =	vmul.f32 $8.000000000e+00, v3  }
0x83: {  	[tilespmem:s12+$0x50] =	vst v1;
	v1 =	vmul.f32 $8.000000000e+00, v4  }
0x84: {  	v2 =	vmul.f32 $8.000000000e+00, v2;
	[tilespmem:s12+$0x60] =	vst v0  }
0x85: {  	s13 =	sshll.u32 s31, $0xD;
	[tilespmem:s12+$0x70] =	vst v1  }
0x86: {  	s13 =	sadd.s32 s8, s13;
	[tilespmem:s12+$0xFFFFFFF0] =	vst v2;
	s12 =	simm.s32 @!p0 $0x8  }
0x87: {  	[hbm4b:s13+s3] =	stream.linear.scatter [tilespmem:s14], [sflag:$0x6], $0x4000, $0x38;
	[tilespmem:$0x16400] =	vst v63  }
0x88: {  	s1 =	sor.u32 $0x3, s1;
	_ =	swait.ge @!p0 [sflag:s12], $0x4000  }
0x89: {  	s15 =	sshll.u32 s1, $0x8;
	[sflag:s12] =	ssyncset.done @!p0 $0x0  }
0x8a: {  	s15 =	sand.u32 $0x3FFFFF00, s15;
	[sflag:s12] =	ssyncadd.s32 @!p0 $0xFFFFC000  }
0x8b: {  	[tilespmem:s21], [sflag:$0x4] =	stream.indirect.gather [hbm4b:s4+s10], $0x40, s15, s10, $0xb8;
	[tilespmem:$0x16400] =	vst v63  }
0x8c: {  	s12 =	sor.u32 $0x80, s15  }
0x8d: {  	[tilespmem:s22], [sflag:$0x4] =	stream.indirect.gather [hbm4b:s4+s10], $0x40, s12, s10, $0xb8;
	[tilespmem:$0x16400] =	vst v63  }
0x8e: {  	_ =	swait.ge [sflag:s23], $0x2000  }
0x8f: {  	[sflag:s23] =	ssyncset.done $0x0  }
0x90: {  	[sflag:s23] =	ssyncadd.s32 $0xFFFFE000  }
0x91: {  	_ =	swait.ge [sflag:s23], $0x2000  }
0x92: {  	[sflag:s23] =	ssyncset.done $0x0  }
0x93: {  	s12 =	simm.s32 $0xE480;
	[sflag:s23] =	ssyncadd.s32 $0xFFFFE000  }
0x94: {  	v0 =	vld [tilespmem:s12+$0xFFFFFF80]  }
0x95: {  	v1 =	vld [tilespmem:s12+$0xFFFFFF90]  }
0x96: {  	v2 =	vld [tilespmem:s12+$0xFFFFFFA0]  }
0x97: {  	v3 =	vld [tilespmem:s12+$0xFFFFFFB0]  }
0x98: {  	v4 =	vld [tilespmem:s12+$0xFFFFFFC0]  }
0x99: {  	v5 =	vld [tilespmem:s12+$0xFFFFFFD0];
	v0 =	vmul.f32 $8.000000000e+00, v0  }
0x9a: {  	v6 =	vld [tilespmem:s12+$0xFFFFFFE0];
	v1 =	vmul.f32 $8.000000000e+00, v1  }
0x9b: {  	[tilespmem:s12+$0xFFFFFF80] =	vst v0;
	v0 =	vmul.f32 $8.000000000e+00, v2;
	v2 =	vld [tilespmem:s12+$0x0]  }
0x9c: {  	[tilespmem:s12+$0xFFFFFF90] =	vst v1;
	v1 =	vmul.f32 $8.000000000e+00, v3;
	v3 =	vld [tilespmem:s12+$0x10]  }
0x9d: {  	[tilespmem:s12+$0xFFFFFFA0] =	vst v0;
	v0 =	vmul.f32 $8.000000000e+00, v4;
	v4 =	vld [tilespmem:s12+$0x20]  }
0x9e: {  	v7 =	vld [tilespmem:s12+$0x30];
	[tilespmem:s12+$0xFFFFFFB0] =	vst v1;
	v1 =	vmul.f32 $8.000000000e+00, v5  }
0x9f: {  	v5 =	vmul.f32 $8.000000000e+00, v6;
	[tilespmem:s12+$0xFFFFFFC0] =	vst v0;
	v0 =	vld [tilespmem:s12+$0x40]  }
0xa0: {  	[tilespmem:s12+$0xFFFFFFD0] =	vst v1;
	v1 =	vmul.f32 $8.000000000e+00, v2;
	v2 =	vld [tilespmem:s12+$0x50]  }
0xa1: {  	[tilespmem:s12+$0xFFFFFFE0] =	vst v5;
	v6 =	vmul.f32 $8.000000000e+00, v3;
	v3 =	vld [tilespmem:s12+$0x60]  }
0xa2: {  	[tilespmem:s12+$0x0] =	vst v1;
	v5 =	vmul.f32 $8.000000000e+00, v4;
	v4 =	vld [tilespmem:s12+$0x70]  }
0xa3: {  	s13 =	simm.s32 $0x0;
	s15 =	simm.s32 $0xE580;
	v1 =	vld [tilespmem:s12+$0xFFFFFFF0];
	[tilespmem:s12+$0x10] =	vst v6;
	v6 =	vmul.f32 $8.000000000e+00, v7  }
.LBB2_7:
0xa4: {  	v7 =	vld [tilespmem:s15+$0xFFFFFF80];
	[tilespmem:s12+$0x20] =	vst v5;
	v0 =	vmul.f32 $8.000000000e+00, v0  }
0xa5: {  	v5 =	vld [tilespmem:s15+$0xFFFFFF90];
	[tilespmem:s12+$0x30] =	vst v6;
	v2 =	vmul.f32 $8.000000000e+00, v2  }
0xa6: {  	v6 =	vld [tilespmem:s15+$0xFFFFFFA0];
	[tilespmem:s12+$0x40] =	vst v0;
	v0 =	vmul.f32 $8.000000000e+00, v3  }
0xa7: {  	v3 =	vld [tilespmem:s15+$0xFFFFFFB0];
	[tilespmem:s12+$0x50] =	vst v2;
	v2 =	vmul.f32 $8.000000000e+00, v4  }
0xa8: {  	v4 =	vld [tilespmem:s15+$0xFFFFFFC0];
	v1 =	vmul.f32 $8.000000000e+00, v1;
	[tilespmem:s12+$0x60] =	vst v0  }
0xa9: {  	v0 =	vmul.f32 $8.000000000e+00, v7;
	v7 =	vld [tilespmem:s15+$0xFFFFFFD0];
	[tilespmem:s12+$0x70] =	vst v2  }
0xaa: {  	v2 =	vmul.f32 $8.000000000e+00, v5;
	v5 =	vld [tilespmem:s15+$0xFFFFFFE0];
	[tilespmem:s12+$0xFFFFFFF0] =	vst v1;
	s12 =	smov.u32 s15  }
0xab: {  	[tilespmem:s15+$0xFFFFFF80] =	vst v0;
	v0 =	vmul.f32 $8.000000000e+00, v6;
	v1 =	vld [tilespmem:s15+$0x0]  }
0xac: {  	[tilespmem:s15+$0xFFFFFF90] =	vst v2;
	v2 =	vmul.f32 $8.000000000e+00, v3;
	v3 =	vld [tilespmem:s15+$0x10]  }
0xad: {  	s13 =	sadd.s32 $0x4, s13;
	[tilespmem:s15+$0xFFFFFFA0] =	vst v0;
	v0 =	vmul.f32 $8.000000000e+00, v4;
	v4 =	vld [tilespmem:s15+$0x20]  }
0xae: {  	p0 =	slt.u32 s13, $0xFC;
	[tilespmem:s15+$0xFFFFFFB0] =	vst v2;
	v2 =	vmul.f32 $8.000000000e+00, v7;
	v6 =	vld [tilespmem:s15+$0x30]  }
.Ltmp4:
0xaf: {  	[tilespmem:s15+$0xFFFFFFC0] =	vst v0;
	v5 =	vmul.f32 $8.000000000e+00, v5;
	v0 =	vld [tilespmem:s15+$0x40];
	(pc) =	sbr.rel @p0 .LBB2_7-.Ltmp4, $4  }
0xb0: {  	[tilespmem:s15+$0xFFFFFFD0] =	vst v2;
	v1 =	vmul.f32 $8.000000000e+00, v1;
	v2 =	vld [tilespmem:s15+$0x50]  }
0xb1: {  	[tilespmem:s15+$0xFFFFFFE0] =	vst v5;
	v7 =	vmul.f32 $8.000000000e+00, v3;
	v3 =	vld [tilespmem:s15+$0x60]  }
0xb2: {  	[tilespmem:s15+$0x0] =	vst v1;
	v5 =	vmul.f32 $8.000000000e+00, v4;
	v4 =	vld [tilespmem:s15+$0x70]  }
0xb3: {  	s15 =	sadd.s32 $0x100, s15;
	v1 =	vld [tilespmem:s12+$0xFFFFFFF0];
	[tilespmem:s12+$0x10] =	vst v7;
	v6 =	vmul.f32 $8.000000000e+00, v6  }
0xb4: {  	[tilespmem:s12+$0x20] =	vst v5;
	v0 =	vmul.f32 $8.000000000e+00, v0  }
0xb5: {  	[tilespmem:s12+$0x30] =	vst v6;
	v2 =	vmul.f32 $8.000000000e+00, v2  }
0xb6: {  	[tilespmem:s12+$0x40] =	vst v0;
	v0 =	vmul.f32 $8.000000000e+00, v3  }
0xb7: {  	s0 =	sshll.u32 s0, $0xE;
	[tilespmem:s12+$0x50] =	vst v2;
	v2 =	vmul.f32 $8.000000000e+00, v4  }
0xb8: {  	s0 =	sadd.s32 s6, s0;
	v1 =	vmul.f32 $8.000000000e+00, v1;
	[tilespmem:s12+$0x60] =	vst v0  }
0xb9: {  	s0 =	sshrl.u32 s0, $0x3;
	[tilespmem:s12+$0x70] =	vst v2  }
0xba: {  	p0 =	seq.s32 s31, $0x18;
	s0 =	sadd.s32 s2, s0;
	[tilespmem:s12+$0xFFFFFFF0] =	vst v1  }
0xbb: {  	[hbm4b:s0+s3] =	stream.linear.scatter [tilespmem:s18], [sflag:$0x7], $0x4000, $0x38;
	[tilespmem:$0x16400] =	vst v63  }
0xbc: {  	s0 =	simm.s32 @!p0 $0x5  }
0xbd: {  	_ =	swait.ge @!p0 [sflag:s0], $0x4000  }
0xbe: {  	s12 =	sshll.u32 @!p0 s31, $0xA;
	[sflag:s0] =	ssyncset.done @!p0 $0x0  }
0xbf: {  	[sflag:s0] =	ssyncadd.s32 @!p0 $0xFFFFC000;
	s0 =	sand.u32 @!p0 $0x3FFFFC00, s12  }
0xc0: {  	s13 =	simm.s32 @!p0 $0x80;
	s15 =	simm.s32 @!p0 $0x6400;
	s12 =	sadd.s32 @!p0 $0x400, s0  }
0xc1: {  	[tilespmem:s15], [sflag:$0x1] =	stream.indirect.gather @!p0 [hbm4b:s4+s13], $0x40, s12, s13, $0xb8;
	[tilespmem:$0x16400] =	vst v63  }
0xc2: {  	s0 =	sadd.s32 @!p0 $0x480, s0;
	s12 =	simm.s32 @!p0 $0x8400  }
0xc3: {  	[tilespmem:s12], [sflag:$0x1] =	stream.indirect.gather @!p0 [hbm4b:s4+s13], $0x40, s0, s13, $0xb8;
	[tilespmem:$0x16400] =	vst v63  }
0xc4: {  	_ =	swait.ge [sflag:s24], $0x2000  }
0xc5: {  	[sflag:s24] =	ssyncset.done $0x0  }
0xc6: {  	[sflag:s24] =	ssyncadd.s32 $0xFFFFE000  }
0xc7: {  	_ =	swait.ge [sflag:s24], $0x2000  }
0xc8: {  	[sflag:s24] =	ssyncset.done $0x0  }
0xc9: {  	s0 =	simm.s32 $0x12480;
	[sflag:s24] =	ssyncadd.s32 $0xFFFFE000  }
0xca: {  	v0 =	vld [tilespmem:s0+$0xFFFFFF80]  }
0xcb: {  	v1 =	vld [tilespmem:s0+$0xFFFFFF90]  }
0xcc: {  	v2 =	vld [tilespmem:s0+$0xFFFFFFA0]  }
0xcd: {  	v3 =	vld [tilespmem:s0+$0xFFFFFFB0]  }
0xce: {  	v4 =	vld [tilespmem:s0+$0xFFFFFFC0]  }
0xcf: {  	v5 =	vld [tilespmem:s0+$0xFFFFFFD0];
	v0 =	vmul.f32 $8.000000000e+00, v0  }
0xd0: {  	v6 =	vld [tilespmem:s0+$0xFFFFFFE0];
	v1 =	vmul.f32 $8.000000000e+00, v1  }
0xd1: {  	[tilespmem:s0+$0xFFFFFF80] =	vst v0;
	v0 =	vmul.f32 $8.000000000e+00, v2;
	v2 =	vld [tilespmem:s0+$0x0]  }
0xd2: {  	[tilespmem:s0+$0xFFFFFF90] =	vst v1;
	v1 =	vmul.f32 $8.000000000e+00, v3;
	v3 =	vld [tilespmem:s0+$0x10]  }
0xd3: {  	[tilespmem:s0+$0xFFFFFFA0] =	vst v0;
	v0 =	vmul.f32 $8.000000000e+00, v4;
	v4 =	vld [tilespmem:s0+$0x20]  }
0xd4: {  	v7 =	vld [tilespmem:s0+$0x30];
	[tilespmem:s0+$0xFFFFFFB0] =	vst v1;
	v1 =	vmul.f32 $8.000000000e+00, v5  }
0xd5: {  	v5 =	vmul.f32 $8.000000000e+00, v6;
	[tilespmem:s0+$0xFFFFFFC0] =	vst v0;
	v0 =	vld [tilespmem:s0+$0x40]  }
0xd6: {  	[tilespmem:s0+$0xFFFFFFD0] =	vst v1;
	v1 =	vmul.f32 $8.000000000e+00, v2;
	v2 =	vld [tilespmem:s0+$0x50]  }
0xd7: {  	[tilespmem:s0+$0xFFFFFFE0] =	vst v5;
	v6 =	vmul.f32 $8.000000000e+00, v3;
	v3 =	vld [tilespmem:s0+$0x60]  }
0xd8: {  	[tilespmem:s0+$0x0] =	vst v1;
	v5 =	vmul.f32 $8.000000000e+00, v4;
	v4 =	vld [tilespmem:s0+$0x70]  }
0xd9: {  	s12 =	simm.s32 $0x0;
	s13 =	simm.s32 $0x12580;
	v1 =	vld [tilespmem:s0+$0xFFFFFFF0];
	[tilespmem:s0+$0x10] =	vst v6;
	v6 =	vmul.f32 $8.000000000e+00, v7  }
.LBB2_9:
0xda: {  	v7 =	vld [tilespmem:s13+$0xFFFFFF80];
	[tilespmem:s0+$0x20] =	vst v5;
	v0 =	vmul.f32 $8.000000000e+00, v0  }
0xdb: {  	v5 =	vld [tilespmem:s13+$0xFFFFFF90];
	[tilespmem:s0+$0x30] =	vst v6;
	v2 =	vmul.f32 $8.000000000e+00, v2  }
0xdc: {  	v6 =	vld [tilespmem:s13+$0xFFFFFFA0];
	[tilespmem:s0+$0x40] =	vst v0;
	v0 =	vmul.f32 $8.000000000e+00, v3  }
0xdd: {  	v3 =	vld [tilespmem:s13+$0xFFFFFFB0];
	[tilespmem:s0+$0x50] =	vst v2;
	v2 =	vmul.f32 $8.000000000e+00, v4  }
0xde: {  	v4 =	vld [tilespmem:s13+$0xFFFFFFC0];
	v1 =	vmul.f32 $8.000000000e+00, v1;
	[tilespmem:s0+$0x60] =	vst v0  }
0xdf: {  	v0 =	vmul.f32 $8.000000000e+00, v7;
	v7 =	vld [tilespmem:s13+$0xFFFFFFD0];
	[tilespmem:s0+$0x70] =	vst v2  }
0xe0: {  	v2 =	vmul.f32 $8.000000000e+00, v5;
	v5 =	vld [tilespmem:s13+$0xFFFFFFE0];
	[tilespmem:s0+$0xFFFFFFF0] =	vst v1;
	s0 =	smov.u32 s13  }
0xe1: {  	[tilespmem:s13+$0xFFFFFF80] =	vst v0;
	v0 =	vmul.f32 $8.000000000e+00, v6;
	v1 =	vld [tilespmem:s13+$0x0]  }
0xe2: {  	[tilespmem:s13+$0xFFFFFF90] =	vst v2;
	v2 =	vmul.f32 $8.000000000e+00, v3;
	v3 =	vld [tilespmem:s13+$0x10]  }
0xe3: {  	s12 =	sadd.s32 $0x4, s12;
	[tilespmem:s13+$0xFFFFFFA0] =	vst v0;
	v0 =	vmul.f32 $8.000000000e+00, v4;
	v4 =	vld [tilespmem:s13+$0x20]  }
0xe4: {  	p1 =	slt.u32 s12, $0xFC;
	[tilespmem:s13+$0xFFFFFFB0] =	vst v2;
	v2 =	vmul.f32 $8.000000000e+00, v7;
	v6 =	vld [tilespmem:s13+$0x30]  }
.Ltmp5:
0xe5: {  	[tilespmem:s13+$0xFFFFFFC0] =	vst v0;
	v5 =	vmul.f32 $8.000000000e+00, v5;
	v0 =	vld [tilespmem:s13+$0x40];
	(pc) =	sbr.rel @p1 .LBB2_9-.Ltmp5, $4  }
0xe6: {  	[tilespmem:s13+$0xFFFFFFD0] =	vst v2;
	v1 =	vmul.f32 $8.000000000e+00, v1;
	v2 =	vld [tilespmem:s13+$0x50]  }
0xe7: {  	[tilespmem:s13+$0xFFFFFFE0] =	vst v5;
	v7 =	vmul.f32 $8.000000000e+00, v3;
	v3 =	vld [tilespmem:s13+$0x60]  }
0xe8: {  	[tilespmem:s13+$0x0] =	vst v1;
	v5 =	vmul.f32 $8.000000000e+00, v4;
	v4 =	vld [tilespmem:s13+$0x70]  }
0xe9: {  	s13 =	sadd.s32 $0x100, s13;
	v1 =	vld [tilespmem:s0+$0xFFFFFFF0];
	[tilespmem:s0+$0x10] =	vst v7;
	v6 =	vmul.f32 $8.000000000e+00, v6  }
0xea: {  	[tilespmem:s0+$0x20] =	vst v5;
	v0 =	vmul.f32 $8.000000000e+00, v0  }
0xeb: {  	[tilespmem:s0+$0x30] =	vst v6;
	v2 =	vmul.f32 $8.000000000e+00, v2  }
0xec: {  	[tilespmem:s0+$0x40] =	vst v0;
	v62 =	vmul.f32 $8.000000000e+00, v3  }
.Ltmp6:
0xed: {  	s1 =	sshll.u32 s1, $0xE;
	[tilespmem:s0+$0x50] =	vst v2;
	v63 =	vmul.f32 $8.000000000e+00, v4;
	(pc) =	sbr.rel @p0 .LBB2_12-.Ltmp6, $4  }
0xee: {  	s1 =	sadd.s32 s6, s1;
	v1 =	vmul.f32 $8.000000000e+00, v1;
	[tilespmem:s0+$0x60] =	vst v62  }
0xef: {  	s1 =	sshrl.u32 s1, $0x3;
	[tilespmem:s0+$0x70] =	vst v63  }
0xf0: {  	s15 =	sadd.s32 s2, s1;
	[tilespmem:s0+$0xFFFFFFF0] =	vst v1  }
0xf1: {  	[hbm4b:s15+s3] =	stream.linear.scatter [tilespmem:s21], [sflag:$0x8], $0x4000, $0x38;
	[tilespmem:$0x16400] =	vst v63  }
0xf2: {  	_ =	swait.ge [sflag:s26], $0x4000;
	s0 =	sshll.u32 s31, $0xA  }
.Ltmp7:
0xf3: {  	[sflag:s26] =	ssyncset.done $0x0;
	s0 =	sand.u32 $0x3FFFFC00, s0;
	(pc) =	sbr.rel .LBB2_2-.Ltmp7, $4  }
0xf4: {  	[sflag:s26] =	ssyncadd.s32 $0xFFFFC000;
	s1 =	sadd.s32 $0x500, s0  }
0xf5: {  	[tilespmem:s14], [sflag:$0x2] =	stream.indirect.gather [hbm4b:s4+s10], $0x40, s1, s10, $0xb8;
	[tilespmem:$0x16400] =	vst v63  }
0xf6: {  	s31 =	sadd.s32 $0x1, s31;
	s0 =	sadd.s32 $0x580, s0  }
0xf7: {  	[tilespmem:s16], [sflag:$0x2] =	stream.indirect.gather [hbm4b:s4+s10], $0x40, s0, s10, $0xb8;
	[tilespmem:$0x16400] =	vst v63  }
.LBB2_13:
0xf8: {  	_ =	sfence.sel $0x180000  }
0xf9: {  	[bflag:$0x0] =	sbarrier.arrive $0xFFFF  }
0xfa: {  	_ =	strace $0x90000047  }
0xfb: {  	s0 =	stileid.u32;
	[bflag:$0x2] =	sbarrier.arrive $0xFFFF  }
0xfc: {  	p0 =	sne.s32 s0, $0x0;
	s0 =	rddreg [dreg:$0x2]  }
0xfd: {  	s0 =	sadd.s32 @!p0 $0x100000, s0  }
0xfe: {  	[sflag:s0] =	ssyncadd.tile.s32 @!p0 $0x1;
	_ =	shalt  }
.Lfunc_end2:
_tile_overlayer_lowered:
.L_overlay_start_2:
0xff: {  	(tag) =	ssettag $0x2  }
0x100: {  	s0 =	rddreg [dreg:$0x0];
	s2 =	stileid.u32  }
0x101: {  	s1 =	rddreg [dreg:$0x1];
	p0 =	sne.s32 s2, $0x0  }
0x102: {  	s3 =	rddreg [dreg:$0x2];
	[bflag:$0x3] =	sbarrier.arrive $0xFFFF;
	s2 =	simm.s32 @!p0 $0x1C09  }
0x103: {  	[timem:s3], [sflag:s2] =	dma.local @!p0 [hbm:s0], s1  }
0x104: {  	s0 =	simm.s32 @!p0 $0x9  }
0x105: {  	_ =	swait.ge @!p0 [sflag:s0], s1  }
0x106: {  	s1 =	ssub.s32 @!p0 $0x0, s1;
	[sflag:s0] =	ssyncset.done @!p0 $0x0  }
0x107: {  	[sflag:s0] =	ssyncadd.s32 @!p0 s1  }
0x108: {  	[bflag:$0x3] =	sbarrier.arrive $0xFFFF  }
0x109: {  	_ =	shalt  }

// kernel: sparse-core-data-format-call.cloned.1.call-start
scs
called_computation_lowered:
.L_overlay_start_0:
0x0: {  	s2 =	sld [smem:$0x3FD9]  }
0x1: {  	s3 =	sld [smem:$0x3FFE];
	_ =	sdelay $0x1  }
0x2: {  	s1 =	srdreg.scid  }
0x3: {  	s0 =	sand.u32 $0x1, s1  }
0x4: {  	s18 =	sshll.u32 s0, $0xA;
	s2 =	sadd.s32 s3, s2  }
0x5: {  	s2 =	sadd.s32 s2, s18  }
0x6: {  	[smem:$0x3FC6] =	sst s2  }
0x7: {  	_ = 	snop  }
0x8: {  	s2 =	sld [smem:$0x3FD0];
	(tm) =	ssettm $0x1  }
0x9: {  	s19 =	sld [smem:$0x3FFB];
	_ =	sdelay $0x3  }
0xa: {  	_ =	strace s19  }
0xb: {  	s3 =	sld [smem:$0x3FFC];
	_ =	sdelay $0x3  }
0xc: {  	_ =	strace s3  }
0xd: {  	s3 =	sld [smem:$0x3FFD];
	_ =	sdelay $0x3  }
0xe: {  	_ =	strace s3  }
0xf: {  	_ =	strace $0x8FFFFFFF  }
0x10: {  	s20 =	sld [smem:$0x3FDB];
	_ =	sdelay $0x1  }
0x11: {  	s4 =	simm.s32 $_scs_section_size  }
0x12: {  	s5 =	simm.s32 $_size__tile_overlayer_lowered;
	s6 =	simm.s32 $_tile_overlayer_lowered  }
0x13: {  	s23 =	simm.s32 $0x1BFF;
	s22 =	sshll.u32 s6, $0x1;
	s3 =	sadd.s32 s4, s20  }
0x14: {  	s7 =	simm.s32 $0x0;
	s21 =	sshll.u32 s5, $0x1;
	s5 =	sadd.s32 s22, s3  }
0x15: {  	[timem:s7], [sflag:s23] =	dma.local [hbm:s5], s21  }
0x16: {  	_ =	swait.ge [sflag:s23], s21  }
0x17: {  	s4 =	ssub.s32 $0x0, s21;
	[sflag:s23] =	ssyncset.done $0x0  }
0x18: {  	[sflag:s23] =	ssyncadd.s32 s4;
	_ =	sdelay $0x1  }
0x19: {  	s24 =	simm.s32 $0x1B8B  }
0x1a: {  	_ =	swait.ge [sflag:s24], $0x1  }
0x1b: {  	[sflag:s24] =	ssyncset.done $0x0  }
0x1c: {  	s26 =	simm.s32 $0x1B8E;
	s25 =	sld [smem:$0x3FFE];
	[sflag:s24] =	ssyncadd.s32 $0xFFFFFFFF  }
0x1d: {  	s27 =	simm.s32 $execute0_lowered;
	[smem:$0x3FD2] =	sst s26  }
0x1e: {  	s5 =	sshll.u32 s27, $0x1;
	_ =	strace $0x80000049;
	[dreg:$0x1] =	wrdreg $0xFFFFFFFF  }
0x1f: {  	s28 =	simm.s32 $_size_execute0_lowered;
	s3 =	sadd.s32 s3, s5;
	[dreg:$0x0] =	wrdreg $0x0  }
0x20: {  	s5 =	sshll.u32 s28, $0x1;
	[dreg:$0x2] =	wrdreg s3  }
0x21: {  	[dreg:$0x3] =	wrdreg s5  }
0x22: {  	[dreg:$0x4] =	wrdreg $0xC0  }
0x23: {  	_ =	task [dreg:s7], $0x5FFFF  }
0x24: {  	[dreg:$0x1] =	wrdreg $0xFFFFFFFF  }
0x25: {  	[dreg:$0x0] =	wrdreg $0x60  }
0x26: {  	[dreg:$0x2] =	wrdreg s25  }
0x27: {  	[dreg:$0x3] =	wrdreg s2  }
0x28: {  	[dreg:$0x4] =	wrdreg $0x9  }
0x29: {  	_ =	task.clear_ibuf [dreg:s7], $0x5FFFF;
	_ =	strace $0x90000049  }
0x2a: {  	s29 =	simm.s32 $0x9;
	_ =	strace $0x8000004B  }
0x2b: {  	_ =	swait.ge [sflag:s29], $0x1  }
0x2c: {  	[sflag:s29] =	ssyncadd.s32 $0xFFFFFFFF  }
0x2d: {  	_ =	strace $0x9000004B  }
0x2e: {  	_ =	sfence  }
0x2f: {  	s30 =	sld [smem:$0x0];
	_ =	sdelay $0x2  }
0x30: {  	s31 =	sshll.u32 s1, $0xD;
	s1 =	sshrl.u32 s1, $0x2  }
0x31: {  	s3 =	sand.u32 $0x4000, s31;
	s1 =	sadd.s32 s1, s30  }
0x32: {  	s0 =	sor.u32 s3, s0;
	s1 =	sshll.u32 s1, $0x11  }
0x33: {  	s0 =	sor.u32 s1, s0  }
0x34: {  	s0 =	sadd.s32 $0x8F2B, s0  }
0x35: {  	[sflag:s0] =	ssyncadd.remote.s32 $0x1  }
0x36: {  	_ =	sfence.sel $0xFFFF  }
0x37: {  	[dreg:$0x0] =	wrdreg $0xFFFFFFFF;
	(pc) =	sbr.abs _section_cstart, $3  }
0x38: {  	[dreg:$0x1] =	wrdreg $0xFFFFFFFF  }
0x39: {  	_ =	task.clear_ibuf [dreg:s7], $0x2FFFF;
	_ =	strace $0x9FFFFFFF  }
0x3a: {  	(tm) =	ssettm $0x7FFFFFFF  }
0x3b: {  	_ =	shalt  }
tec
execute0_lowered:
.L_overlay_start_1:
0x0: {  	(tag) =	ssettag $0x1  }
0x1: {  	s0 =	srdreg.scid  }
0x2: {  	s1 =	sshll.u32 s0, $0x4  }
0x3: {  	s0 =	stileid.u32;
	s1 =	sand.u32 $0x10, s1  }
0x4: {  	s1 =	sor.u32 s0, s1  }
0x5: {  	s6 =	rddreg [dreg:$0x0];
	s4 =	simm.s32 $0x1;
	s2 =	sshll.u32 s1, $0x7  }
0x6: {  	s7 =	simm.s32 $0x2;
	s12 =	simm.s32 $0x0;
	s1 =	ssub.s32 $0x1000, s2  }
0x7: {  	s8 =	simm.s32 $0x8000;
	s13 =	simm.s32 $0x0;
	s3 =	sand.u32 $0xF80, s1  }
0x8: {  	s9 =	simm.s32 $0x0;
	s5 =	sshrl.u32 s1, $0xC;
	p0 =	sne.s32 s3, $0x0  }
.Ltmp0:
0x9: {  	s1 =	rddreg [dreg:$0x2];
	s4 =	simm.s32 @!p0 $0x0;
	(pc) =	sbr.rel .LBB1_1-.Ltmp0, $4  }
0xa: {  	s11 =	simm.s32 $0x0;
	s3 =	rddreg [dreg:$0x1];
	s5 =	sadd.s32 s4, s5  }
0xb: {  	_ =	strace $0x8000004A;
	s4 =	simm.s32 $0x1;
	s5 =	smul.u32 $0xC8, s5  }
0xc: {  	s6 =	sadd.s32 $0xA00, s6;
	s10 =	smov.u32 s2;
	[sflag:s4] =	ssyncpa.u1 $0x0  }
0xd: {  	p0 =	por $0x0, $0x0;
	[sflag:s7] =	ssyncpa.u1 $0x0;
	s7 =	sor.u32 $0x1, s5  }
.LBB1_4:
0xe: {  	s16 =	sshll.u32 s13, $0x3;
	s17 =	sand.u32 $0x78, s13  }
0xf: {  	s30 =	sand.u32 $0x7E00, s13;
	s12 =	sshll.u32 s12, $0xF;
	s16 =	sand.u32 $0xC00, s16  }
0x10: {  	[tilespmem:s15+$0x810 ss:$0x81] =	vst.msk $0xffff, v2;
	s31 =	sand.u32 $0x7, s13;
	s16 =	sor.u32 s17, s16;
	s17 =	sadd.s32 s3, s30  }
0x11: {  	[tilespmem:s15+$0x1020 ss:$0x81] =	vst.msk $0xffff, v0;
	s13 =	sshll.u32 s31, $0x12;
	s12 =	sadd.s32 s12, s17;
	s16 =	sshrl.u32 s16, $0x3  }
0x12: {  	[tilespmem:s15+$0x0 ss:$0x81] =	vst.msk $0xffff, v1;
	s13 =	sor.u32 $0x400, s13;
	s12 =	sadd.s32 s16, s12  }
0x13: {  	[hbm4b:s12+s13] =	stream.strided.scatter [tilespmem:s14], [sflag:$0x2], $0x2000, s8, s13, $0x20;
	[tilespmem:$0x8080] =	vst v63  }
.LBB1_5:
0x14: {  	s14 =	sadd.s32 $0x1, s9  }
0x15: {  	s12 =	sadd.s32 $0x1000, s10;
	s16 =	smov.u32 s10;
	p2 =	sgt.s32 s14, $0xC7  }
0x16: {  	s16 =	smov.u32 @p2 s12  }
0x17: {  	s14 =	simm.s32 @p2 $0x0;
	p2 =	sgt.s32 s16, $0xFFF  }
0x18: {  	s16 =	smov.u32 @p2 s2;
	p2 =	sne.s32 s11, s7  }
.Ltmp1:
0x19: {  	p1 =	slt.u32 s11, $0x2;
	(pc) =	sbr.rel @!p2 .LBB1_6-.Ltmp1, $4  }
0x1a: {  	s15 =	simm.s32 @!p1 $0x2  }
0x1b: {  	s13 =	smov.u32 s10;
	p0 =	por !p0, !p0;
	_ =	swait.ge @!p1 [sflag:s15], $0x2000  }
0x1c: {  	s12 =	smov.u32 s9;
	[sflag:s15] =	ssyncset.done @!p1 $0x0;
	s9 =	smov.u32 s14  }
0x1d: {  	s11 =	sadd.s32 $0x1, s11;
	[sflag:s15] =	ssyncadd.s32 @!p1 $0xFFFFE000;
	s10 =	smov.u32 s16  }
.LBB1_1:
0x1e: {  	p1 =	sge.u32 s11, s5  }
0x1f: {  	s14 =	sand.u32 @!p1 $0x1FFFFFF, s9  }
0x20: {  	s15 =	smulhi.u32 @!p1 $0x147AE15, s14;
	_ =	sdelay $0x1  }
0x21: {  	s15 =	smul.u32 @!p1 $0xC8, s15  }
0x22: {  	s16 =	sxor.u32 @!p1 $0xFFFFFFFF, s11;
	s17 =	smul.u32 @!p1 $0xC80, s10  }
0x23: {  	s31 =	sadd.s32 $0xFFFFFFFF, s11;
	s16 =	sshll.u32 @!p1 s16, $0xD;
	s14 =	ssub.s32 @!p1 s14, s15  }
0x24: {  	s15 =	sand.u32 @!p1 $0x2000, s16;
	s16 =	sadd.s32 @!p1 s6, s17;
	s14 =	sshll.u32 @!p1 s14, $0x4  }
0x25: {  	s17 =	simm.s32 @!p1 $0x6400;
	s14 =	sadd.s32 @!p1 s14, s16;
	s16 =	simm.s32 @!p1 $0x40  }
0x26: {  	[tilespmem:s15], [sflag:$0x1] =	stream.strided.gather @!p1 [hbm4b:s14+s16], $0x2000, s17, s16, $0x38;
	[tilespmem:$0x8080] =	vst v63  }
0x27: {  	p1 =	sge.u32 s31, s5  }
.Ltmp2:
0x28: {  	_ = 	snop;
	(pc) =	sbr.rel @p1 .LBB1_5-.Ltmp2, $1  }
0x29: {  	_ =	sdelay $0x3  }
0x2a: {  	s14 =	simm.s32 $0x1  }
0x2b: {  	_ =	swait.ge [sflag:s4], $0x2000;
	s14 =	simm.s32 @!p0 $0x0  }
0x2c: {  	[sflag:s4] =	ssyncset.done $0x0;
	s15 =	sshll.u32 s14, $0xD  }
0x2d: {  	[sflag:s4] =	ssyncadd.s32 $0xFFFFE000;
	s18 =	sor.u32 $0x20, s15  }
0x2e: {  	s14 =	smul.u32 $0x8100, s14;
	v3 =	vld [tilespmem:s18+$0x10]  }
0x2f: {  	s30 =	sand.u32 $0x1, s11;
	v2 =	vld [tilespmem:s18+$0xFFFFFFF0]  }
0x30: {  	s15 =	smul.u32 $0x8100, s30;
	s14 =	sshrl.u32 s14, $0x2;
	v0 =	vld [tilespmem:s18+$0x0]  }
0x31: {  	v1 =	vld [tilespmem:s18+$0xFFFFFFE0];
	s16 =	sor.u32 $0x4000, s14  }
0x32: {  	s31 =	sshrl.u32 s15, $0x2;
	s15 =	sadd.s32 $0x0, s16  }
0x33: {  	s17 =	simm.s32 $0x4;
	s18 =	sadd.s32 $0x40, s18;
	s14 =	sor.u32 $0x4000, s31;
	[tilespmem:s15+$0x1830 ss:$0x81] =	vst.msk $0xffff, v3  }
.LBB1_3:
0x34: {  	v3 =	vld [tilespmem:s18+$0x10];
	p1 =	sne.s32 s17, $0x1FC;
	[tilespmem:s15+$0x810 ss:$0x81] =	vst.msk $0xffff, v2;
	s19 =	smov.u32 s17;
	s17 =	sadd.s32 $0x4, s17  }
.Ltmp3:
0x35: {  	v2 =	vld [tilespmem:s18+$0xFFFFFFF0];
	[tilespmem:s15+$0x1020 ss:$0x81] =	vst.msk $0xffff, v0;
	(pc) =	sbr.rel @p1 .LBB1_3-.Ltmp3, $4  }
0x36: {  	v0 =	vld [tilespmem:s18+$0x0];
	[tilespmem:s15+$0x0 ss:$0x81] =	vst.msk $0xffff, v1  }
0x37: {  	s15 =	sshra.s32 s19, $0x2;
	v1 =	vld [tilespmem:s18+$0xFFFFFFE0]  }
0x38: {  	s15 =	sadd.s32 s15, s16  }
0x39: {  	s18 =	sadd.s32 $0x40, s18;
	[tilespmem:s15+$0x1830 ss:$0x81] =	vst.msk $0xffff, v3  }
.Ltmp4:
0x3a: {  	_ = 	snop;
	(pc) =	sbr.rel .LBB1_4-.Ltmp4, $1  }
0x3b: {  	_ =	sdelay $0x3  }
.LBB1_6:
0x3c: {  	_ =	sfence.sel $0x180000  }
0x3d: {  	s2 =	simm.s32 $0x1;
	[bflag:$0x0] =	sbarrier.arrive $0xFFFF  }
0x3e: {  	s31 =	simm.s32 $0x2;
	[sflag:s2] =	ssyncpa.u1 $0x1  }
0x3f: {  	[sflag:s31] =	ssyncpa.u1 $0x1  }
0x40: {  	p0 =	sne.s32 s0, $0x0;
	_ =	strace $0x9000004A  }
0x41: {  	s0 =	sadd.s32 @!p0 $0x100000, s1;
	[bflag:$0x2] =	sbarrier.arrive $0xFFFF  }
0x42: {  	[sflag:s0] =	ssyncadd.tile.s32 @!p0 $0x1;
	_ =	shalt  }
.Lfunc_end1:
_tile_overlayer_lowered:
.L_overlay_start_2:
0x43: {  	(tag) =	ssettag $0x2  }
0x44: {  	s0 =	rddreg [dreg:$0x0];
	s2 =	stileid.u32  }
0x45: {  	s1 =	rddreg [dreg:$0x1];
	p0 =	sne.s32 s2, $0x0  }
0x46: {  	s3 =	rddreg [dreg:$0x2];
	[bflag:$0x3] =	sbarrier.arrive $0xFFFF;
	s2 =	simm.s32 @!p0 $0x1C01  }
0x47: {  	[timem:s3], [sflag:s2] =	dma.local @!p0 [hbm:s0], s1  }
0x48: {  	s0 =	simm.s32 @!p0 $0x1  }
0x49: {  	_ =	swait.ge @!p0 [sflag:s0], s1  }
0x4a: {  	s1 =	ssub.s32 @!p0 $0x0, s1;
	[sflag:s0] =	ssyncset.done @!p0 $0x0  }
0x4b: {  	[sflag:s0] =	ssyncadd.s32 @!p0 s1  }
0x4c: {  	[bflag:$0x3] =	sbarrier.arrive $0xFFFF  }
0x4d: {  	_ =	shalt  }

</sc_bundles>
